<compile_context>
chip_gen: v7x
topology: tpu7x:2x2x1
jax: 0.10.2.dev20260603
libtpu: 0.0.44.dev20260713+nightly
codegen_flags: <defaults>
</compile_context>

<pallas_src>
import functools

import jax
import jax.numpy as jnp
from jax import lax
from jax.experimental import pallas as pl
from jax.experimental.pallas import tpu as pltpu
from jax.experimental.pallas import tpu_sc as plsc

N_NODES = 10000
N_EDGES = 320000
D = 128

NC = 2
NS = 16
NW = NC * NS
E_PER_W = N_EDGES // NW
CHUNK = 128
FULL_CHUNKS = E_PER_W // CHUNK
TAIL_E = E_PER_W - FULL_CHUNKS * CHUNK
N_CH = FULL_CHUNKS + 1
E_PAD_W = N_CH * CHUNK
NB = 6
NR = 2
ROWS_PER_TILE = 624
TAIL_OFF = ROWS_PER_TILE * NS
TAIL_ROWS = N_NODES - TAIL_OFF


def _sc_scatter_sum(features, src_pad, dst, zeros):
    mesh = plsc.VectorSubcoreMesh(
        core_axis_name="c", subcore_axis_name="s", num_cores=NC, num_subcores=NS
    )

    @functools.partial(
        pl.kernel,
        out_type=jax.ShapeDtypeStruct((NC, N_NODES, D), jnp.float32),
        mesh=mesh,
        scratch_types=[
            pltpu.VMEM_SHARED((N_NODES, D), jnp.float32),
            [pltpu.VMEM((CHUNK,), jnp.int32)] * NB,
            [pltpu.VMEM((CHUNK,), jnp.int32)] * NB,
            pltpu.VMEM((TAIL_E,), jnp.int32),
            pltpu.VMEM((CHUNK, D), jnp.float32),
            pltpu.VMEM((CHUNK, D), jnp.float32),
            [pltpu.SemaphoreType.DMA] * NB,
            [pltpu.SemaphoreType.DMA] * NB,
            pltpu.SemaphoreType.DMA,
            pltpu.SemaphoreType.DMA,
            pltpu.SemaphoreType.DMA,
        ],
    )
    def k(feat_hbm, src_hbm, dst_hbm, zeros_hbm, out_hbm,
          acc, srcb, dstb, dbt, rows0, rows1, ssrc, sdst, sdt, sg0, sg1):
        c = lax.axis_index("c")
        s = lax.axis_index("s")
        wid = s * NC + c
        base_s = wid * E_PAD_W
        base_d = wid * E_PER_W
        rows = (rows0, rows1)
        sg = (sg0, sg1)

        pltpu.sync_copy(zeros_hbm, acc.at[pl.ds(s * ROWS_PER_TILE, ROWS_PER_TILE)])

        @pl.when(s == NS - 1)
        def _():
            pltpu.sync_copy(zeros_hbm.at[pl.ds(0, TAIL_ROWS)],
                            acc.at[pl.ds(TAIL_OFF, TAIL_ROWS)])

        for j in range(NB):
            pltpu.async_copy(src_hbm.at[pl.ds(base_s + j * CHUNK, CHUNK)],
                             srcb[j], ssrc[j])
            pltpu.async_copy(dst_hbm.at[pl.ds(base_d + j * CHUNK, CHUNK)],
                             dstb[j], sdst[j])
        pltpu.async_copy(
            dst_hbm.at[pl.ds(base_d + FULL_CHUNKS * CHUNK, TAIL_E)], dbt, sdt)
        plsc.subcore_barrier()

        idx_bytes = src_hbm.at[pl.ds(base_s, CHUNK)]

        for j in range(NR - 1):
            pltpu.make_async_copy(idx_bytes, srcb[j], ssrc[j]).wait()
            pltpu.async_copy(feat_hbm.at[srcb[j]], rows[j], sg[j])

        def step(i, b, bn, r, rn):
            pltpu.make_async_copy(idx_bytes, srcb[bn], ssrc[bn]).wait()
            pltpu.async_copy(feat_hbm.at[srcb[bn]], rows[rn], sg[rn])
            pltpu.make_async_copy(feat_hbm.at[srcb[b]], rows[r], sg[r]).wait()

            @pl.when(i + NB <= FULL_CHUNKS)
            def _():
                off = base_s + (i + NB) * CHUNK
                pltpu.async_copy(src_hbm.at[pl.ds(off, CHUNK)], srcb[b], ssrc[b])

            pltpu.make_async_copy(idx_bytes, dstb[b], sdst[b]).wait()
            pltpu.sync_copy(rows[r], acc.at[dstb[b]], add=True)

            @pl.when(i + NB < FULL_CHUNKS)
            def _():
                off = base_d + (i + NB) * CHUNK
                pltpu.async_copy(dst_hbm.at[pl.ds(off, CHUNK)], dstb[b], sdst[b])

        def body(t, _):
            i0 = t * NB
            for kk in range(NB):
                step(i0 + kk, kk, (kk + NR - 1) % NB, kk % NR, (kk + NR - 1) % NR)
            return ()

        lax.fori_loop(0, FULL_CHUNKS // NB, body, ())

        rt = FULL_CHUNKS % NR
        bt = FULL_CHUNKS % NB
        pltpu.make_async_copy(feat_hbm.at[srcb[bt]], rows[rt], sg[rt]).wait()
        pltpu.make_async_copy(
            dst_hbm.at[pl.ds(base_d, TAIL_E)], dbt, sdt).wait()
        pltpu.sync_copy(rows[rt].at[pl.ds(0, TAIL_E)], acc.at[dbt], add=True)

        plsc.subcore_barrier()
        pltpu.sync_copy(
            acc.at[pl.ds(s * ROWS_PER_TILE, ROWS_PER_TILE)],
            out_hbm.at[c, pl.ds(s * ROWS_PER_TILE, ROWS_PER_TILE)],
        )

        @pl.when(s == NS - 1)
        def _():
            pltpu.sync_copy(acc.at[pl.ds(TAIL_OFF, TAIL_ROWS)],
                            out_hbm.at[c, pl.ds(TAIL_OFF, TAIL_ROWS)])

    return k(features, src_pad, dst, zeros)


def _tc_feat_body(f_ref, wt_ref, b_ref, t_ref, o_ref):
    a = jnp.dot(f_ref[...], wt_ref[...], preferred_element_type=jnp.float32)
    o_ref[...] = t_ref[0, 0] * jnp.maximum(a + b_ref[...], 0.0)


def _tc_neigh_body(y1_ref, p0_ref, p1_ref, wt_ref, b_ref, t_ref, o_ref):
    hn = p0_ref[...] + p1_ref[...]
    a = jnp.dot(hn, wt_ref[...], preferred_element_type=jnp.float32)
    o_ref[...] = y1_ref[...] + t_ref[0, 0] * jnp.maximum(a + b_ref[...], 0.0)


_ROW_SPEC = pl.BlockSpec((1000, D), lambda i: (i, 0))
_FULL_SPECS = [
    pl.BlockSpec((D, D), lambda i: (0, 0)),
    pl.BlockSpec((1, D), lambda i: (0, 0)),
    pl.BlockSpec(memory_space=pltpu.SMEM),
]
_OUT_SHAPE = jax.ShapeDtypeStruct((N_NODES, D), jnp.float32)


def _tc_feat(features, wt, b2, t1):
    return pl.pallas_call(
        _tc_feat_body,
        grid=(10,),
        in_specs=[_ROW_SPEC] + _FULL_SPECS,
        out_specs=_ROW_SPEC,
        out_shape=_OUT_SHAPE,
    )(features, wt, b2, t1)


def _tc_neigh(y1, partials, wt, b2, t2):
    return pl.pallas_call(
        _tc_neigh_body,
        grid=(10,),
        in_specs=[_ROW_SPEC, _ROW_SPEC, _ROW_SPEC] + _FULL_SPECS,
        out_specs=_ROW_SPEC,
        out_shape=_OUT_SHAPE,
    )(y1, partials[0], partials[1], wt, b2, t2)


@jax.jit
def kernel(features, edge_index, W, b, theta1, theta2):
    src = edge_index[0].astype(jnp.int32).reshape(NW, E_PER_W)
    pad_idx = jnp.broadcast_to(
        jnp.arange(E_PAD_W - E_PER_W, dtype=jnp.int32), (NW, E_PAD_W - E_PER_W))
    src_pad = jnp.concatenate([src, pad_idx], axis=1).reshape(-1)
    dst = edge_index[1].astype(jnp.int32)
    zeros = jnp.zeros((ROWS_PER_TILE, D), jnp.float32)
    wt = W.T
    b2 = b.reshape(1, D)
    t1 = theta1.reshape(1, 1)
    t2 = theta2.reshape(1, 1)
    y1 = _tc_feat(features, wt, b2, t1)
    partials = _sc_scatter_sum(features, src_pad, dst, zeros)
    return _tc_neigh(y1, partials, wt, b2, t2)

# --- scband reference (transcript-rebuilt; emitter-appended) ---
"""Pipeline reference for scband-gnn-87746181857786 (READ-ONLY COPY).

The authoritative reference and input builder live on the scoring server;
editing this copy changes nothing except your own understanding.
"""

import jax, jax.numpy as jnp
import numpy as np

N_NODES = 10000
N_EDGES = 320000
D_IN = 128
D_OUT = 128


def setup_inputs(seed: int = 0) -> dict:
    key = jax.random.key(seed)
    k1, k2, k3, k4, k5, k6 = jax.random.split(key, 6)
    features = jax.random.normal(k1, (N_NODES, D_IN), dtype=jnp.float32)
    edge_index = jax.random.randint(k2, (2, N_EDGES), 0, N_NODES, dtype=jnp.int64)
    # nn.Linear(in_dim, out_dim): weight [out, in], bias [out]
    bound = 1.0 / np.sqrt(D_IN)
    W = jax.random.uniform(k3, (D_OUT, D_IN), dtype=jnp.float32, minval=-bound, maxval=bound)
    b = jax.random.uniform(k4, (D_OUT,), dtype=jnp.float32, minval=-bound, maxval=bound)
    theta1 = jax.random.uniform(k5, (1,), dtype=jnp.float32)
    theta2 = jax.random.uniform(k6, (1,), dtype=jnp.float32)
    return {"features": features, "edge_index": edge_index, "W": W, "b": b, "theta1": theta1, "theta2": theta2}


def reference(features, edge_index, W, b, theta1, theta2):
    src = edge_index[0]
    dst = edge_index[1]
    # DGL update_all(copy_u('h','m'), sum('m','h_neigh')): scatter-add of src features to dst nodes
    msgs = jnp.take(features, src, axis=0)
    h_neigh = jax.ops.segment_sum(msgs, dst, num_segments=features.shape[0])
    def lin(x):
        return x @ W.T + b
    h = theta1 * jax.nn.relu(lin(features)) + theta2 * jax.nn.relu(lin(h_neigh))
    return h

if __name__ == "__main__":
    import jax
    _d = setup_inputs()
    print(jax.jit(kernel)(*tuple(_d.values())))

</pallas_src>

<mosaic_0001>
#map = affine_map<(d0, d1) -> (0, 0)>
#map1 = affine_map<(d0, d1) -> (0)>
#map2 = affine_map<(d0, d1) -> (0, 0, 0)>
module attributes {stable_mosaic.version = 14 : i64} {
  func.func @k(%arg0: i32, %arg1: i32, %arg2: memref<10000x128xf32, #tpu.memory_space<hbm>>, %arg3: memref<323584xi32, #tpu.memory_space<hbm>>, %arg4: memref<320000xi32, #tpu.memory_space<hbm>>, %arg5: memref<624x128xf32, #tpu.memory_space<hbm>>, %arg6: memref<2x10000x128xf32, #tpu.memory_space<hbm>>, %arg7: memref<10000x128xf32, #tpu.memory_space<vmem_shared>>, %arg8: memref<128xi32, #tpu.memory_space<vmem>>, %arg9: memref<128xi32, #tpu.memory_space<vmem>>, %arg10: memref<128xi32, #tpu.memory_space<vmem>>, %arg11: memref<128xi32, #tpu.memory_space<vmem>>, %arg12: memref<128xi32, #tpu.memory_space<vmem>>, %arg13: memref<128xi32, #tpu.memory_space<vmem>>, %arg14: memref<128xi32, #tpu.memory_space<vmem>>, %arg15: memref<128xi32, #tpu.memory_space<vmem>>, %arg16: memref<128xi32, #tpu.memory_space<vmem>>, %arg17: memref<128xi32, #tpu.memory_space<vmem>>, %arg18: memref<128xi32, #tpu.memory_space<vmem>>, %arg19: memref<128xi32, #tpu.memory_space<vmem>>, %arg20: memref<16xi32, #tpu.memory_space<vmem>>, %arg21: memref<128x128xf32, #tpu.memory_space<vmem>>, %arg22: memref<128x128xf32, #tpu.memory_space<vmem>>, %arg23: memref<!tpu.dma_semaphore, #tpu.memory_space<semaphore_mem>>, %arg24: memref<!tpu.dma_semaphore, #tpu.memory_space<semaphore_mem>>, %arg25: memref<!tpu.dma_semaphore, #tpu.memory_space<semaphore_mem>>, %arg26: memref<!tpu.dma_semaphore, #tpu.memory_space<semaphore_mem>>, %arg27: memref<!tpu.dma_semaphore, #tpu.memory_space<semaphore_mem>>, %arg28: memref<!tpu.dma_semaphore, #tpu.memory_space<semaphore_mem>>, %arg29: memref<!tpu.dma_semaphore, #tpu.memory_space<semaphore_mem>>, %arg30: memref<!tpu.dma_semaphore, #tpu.memory_space<semaphore_mem>>, %arg31: memref<!tpu.dma_semaphore, #tpu.memory_space<semaphore_mem>>, %arg32: memref<!tpu.dma_semaphore, #tpu.memory_space<semaphore_mem>>, %arg33: memref<!tpu.dma_semaphore, #tpu.memory_space<semaphore_mem>>, %arg34: memref<!tpu.dma_semaphore, #tpu.memory_space<semaphore_mem>>, %arg35: memref<!tpu.dma_semaphore, #tpu.memory_space<semaphore_mem>>, %arg36: memref<!tpu.dma_semaphore, #tpu.memory_space<semaphore_mem>>, %arg37: memref<!tpu.dma_semaphore, #tpu.memory_space<semaphore_mem>>) attributes {dimension_semantics = [#tpu.dimension_semantics<core_parallel>, #tpu.dimension_semantics<subcore_parallel>], iteration_bounds = array<i64: 2, 16>, scalar_prefetch = 0 : i64, scratch_operands = 31 : i64, tpu.core_type = #tpu.core_type<sc_vector_subcore>, window_params = [{transform_indices = #map}, {transform_indices = #map1}, {transform_indices = #map1}, {transform_indices = #map}, {transform_indices = #map2}]} {
    %mul3A = arith.constant 2 : i32
    %mul3A_0 = arith.muli %arg1, %mul3A : i32
    %add3A = arith.addi %mul3A_0, %arg0 : i32
    %mul3A_1 = arith.constant 10112 : i32
    %mul3A_2 = arith.muli %add3A, %mul3A_1 : i32
    %mul3A_3 = arith.constant 10000 : i32
    %mul3A_4 = arith.muli %add3A, %mul3A_3 : i32
    %mul3A_5 = arith.constant 624 : i32
    %mul3A_6 = arith.muli %arg1, %mul3A_5 : i32
    "tpu.region"() ({
      %run_scoped3A = tpu.sem_alloc : memref<!tpu.dma_semaphore, #tpu.memory_space<semaphore_mem>>
      %dma_start3A_83 = arith.constant 0 : i32
      %dma_start3A_84 = tpu.memref_slice %arg7[%mul3A_6, %dma_start3A_83] : memref<10000x128xf32, #tpu.memory_space<vmem_shared>> -> memref<624x128xf32, #tpu.memory_space<vmem_shared>>
      tpu.enqueue_dma source(%arg5 : memref<624x128xf32, #tpu.memory_space<hbm>>) target(%dma_start3A_84 : memref<624x128xf32, #tpu.memory_space<vmem_shared>>) target_semaphore(%run_scoped3A : memref<!tpu.dma_semaphore, #tpu.memory_space<semaphore_mem>>)
      %dma_wait3A_85 = arith.constant 0 : i32
      %dma_wait3A_86 = tpu.memref_slice %arg7[%mul3A_6, %dma_wait3A_85] : memref<10000x128xf32, #tpu.memory_space<vmem_shared>> -> memref<624x128xf32, #tpu.memory_space<vmem_shared>>
      tpu.wait_dma2 semaphore(%run_scoped3A : memref<!tpu.dma_semaphore, #tpu.memory_space<semaphore_mem>>) src(%arg5 : memref<624x128xf32, #tpu.memory_space<hbm>>) dst(%dma_wait3A_86 : memref<624x128xf32, #tpu.memory_space<vmem_shared>>)
      tpu.yield
    }) : () -> ()
    %eq3A = arith.constant 15 : i32
    %eq3A_7 = arith.cmpi eq, %arg1, %eq3A : i32
    %convert_element_type3A = arith.extui %eq3A_7 : i1 to i32
    %cond3A = arith.constant 0 : i32
    %cond3A_8 = arith.cmpi ne, %convert_element_type3A, %cond3A : i32
    scf.if %cond3A_8 {
      "tpu.region"() ({
        %run_scoped3A = tpu.sem_alloc : memref<!tpu.dma_semaphore, #tpu.memory_space<semaphore_mem>>
        %dma_start3A_83 = arith.constant 9984 : i32
        %dma_start3A_84 = arith.constant 0 : i32
        %dma_start3A_85 = tpu.memref_slice %arg7[%dma_start3A_83, %dma_start3A_84] : memref<10000x128xf32, #tpu.memory_space<vmem_shared>> -> memref<16x128xf32, #tpu.memory_space<vmem_shared>>
        %dma_start3A_86 = arith.constant 0 : i32
        %dma_start3A_87 = arith.constant 0 : i32
        %dma_start3A_88 = tpu.memref_slice %arg5[%dma_start3A_86, %dma_start3A_87] : memref<624x128xf32, #tpu.memory_space<hbm>> -> memref<16x128xf32, #tpu.memory_space<hbm>>
        tpu.enqueue_dma source(%dma_start3A_88 : memref<16x128xf32, #tpu.memory_space<hbm>>) target(%dma_start3A_85 : memref<16x128xf32, #tpu.memory_space<vmem_shared>>) target_semaphore(%run_scoped3A : memref<!tpu.dma_semaphore, #tpu.memory_space<semaphore_mem>>)
        %dma_wait3A_89 = arith.constant 9984 : i32
        %dma_wait3A_90 = arith.constant 0 : i32
        %dma_wait3A_91 = tpu.memref_slice %arg7[%dma_wait3A_89, %dma_wait3A_90] : memref<10000x128xf32, #tpu.memory_space<vmem_shared>> -> memref<16x128xf32, #tpu.memory_space<vmem_shared>>
        %dma_wait3A_92 = arith.constant 0 : i32
        %dma_wait3A_93 = arith.constant 0 : i32
        %dma_wait3A_94 = tpu.memref_slice %arg5[%dma_wait3A_92, %dma_wait3A_93] : memref<624x128xf32, #tpu.memory_space<hbm>> -> memref<16x128xf32, #tpu.memory_space<hbm>>
        tpu.wait_dma2 semaphore(%run_scoped3A : memref<!tpu.dma_semaphore, #tpu.memory_space<semaphore_mem>>) src(%dma_wait3A_94 : memref<16x128xf32, #tpu.memory_space<hbm>>) dst(%dma_wait3A_91 : memref<16x128xf32, #tpu.memory_space<vmem_shared>>)
        tpu.yield
      }) : () -> ()
    } else {
    }
    %add3A_9 = arith.constant 0 : i32
    %add3A_10 = arith.addi %mul3A_2, %add3A_9 : i32
    %dma_start3A = tpu.memref_slice %arg3[%add3A_10] : memref<323584xi32, #tpu.memory_space<hbm>> -> memref<128xi32, #tpu.memory_space<hbm>>
    %dma_start3A_11 = tpu.memref_slice %arg3[%add3A_10] : memref<323584xi32, #tpu.memory_space<hbm>> -> memref<128xi32, #tpu.memory_space<hbm>>
    tpu.enqueue_dma source(%dma_start3A_11 : memref<128xi32, #tpu.memory_space<hbm>>) target(%arg8 : memref<128xi32, #tpu.memory_space<vmem>>) target_semaphore(%arg23 : memref<!tpu.dma_semaphore, #tpu.memory_space<semaphore_mem>>)
    %add3A_12 = arith.constant 0 : i32
    %add3A_13 = arith.addi %mul3A_4, %add3A_12 : i32
    %dma_start3A_14 = tpu.memref_slice %arg4[%add3A_13] : memref<320000xi32, #tpu.memory_space<hbm>> -> memref<128xi32, #tpu.memory_space<hbm>>
    %dma_start3A_15 = tpu.memref_slice %arg4[%add3A_13] : memref<320000xi32, #tpu.memory_space<hbm>> -> memref<128xi32, #tpu.memory_space<hbm>>
    tpu.enqueue_dma source(%dma_start3A_15 : memref<128xi32, #tpu.memory_space<hbm>>) target(%arg14 : memref<128xi32, #tpu.memory_space<vmem>>) target_semaphore(%arg29 : memref<!tpu.dma_semaphore, #tpu.memory_space<semaphore_mem>>)
    %add3A_16 = arith.constant 128 : i32
    %add3A_17 = arith.addi %mul3A_2, %add3A_16 : i32
    %dma_start3A_18 = tpu.memref_slice %arg3[%add3A_17] : memref<323584xi32, #tpu.memory_space<hbm>> -> memref<128xi32, #tpu.memory_space<hbm>>
    %dma_start3A_19 = tpu.memref_slice %arg3[%add3A_17] : memref<323584xi32, #tpu.memory_space<hbm>> -> memref<128xi32, #tpu.memory_space<hbm>>
    tpu.enqueue_dma source(%dma_start3A_19 : memref<128xi32, #tpu.memory_space<hbm>>) target(%arg9 : memref<128xi32, #tpu.memory_space<vmem>>) target_semaphore(%arg24 : memref<!tpu.dma_semaphore, #tpu.memory_space<semaphore_mem>>)
    %add3A_20 = arith.constant 128 : i32
    %add3A_21 = arith.addi %mul3A_4, %add3A_20 : i32
    %dma_start3A_22 = tpu.memref_slice %arg4[%add3A_21] : memref<320000xi32, #tpu.memory_space<hbm>> -> memref<128xi32, #tpu.memory_space<hbm>>
    %dma_start3A_23 = tpu.memref_slice %arg4[%add3A_21] : memref<320000xi32, #tpu.memory_space<hbm>> -> memref<128xi32, #tpu.memory_space<hbm>>
    tpu.enqueue_dma source(%dma_start3A_23 : memref<128xi32, #tpu.memory_space<hbm>>) target(%arg15 : memref<128xi32, #tpu.memory_space<vmem>>) target_semaphore(%arg30 : memref<!tpu.dma_semaphore, #tpu.memory_space<semaphore_mem>>)
    %add3A_24 = arith.constant 256 : i32
    %add3A_25 = arith.addi %mul3A_2, %add3A_24 : i32
    %dma_start3A_26 = tpu.memref_slice %arg3[%add3A_25] : memref<323584xi32, #tpu.memory_space<hbm>> -> memref<128xi32, #tpu.memory_space<hbm>>
    %dma_start3A_27 = tpu.memref_slice %arg3[%add3A_25] : memref<323584xi32, #tpu.memory_space<hbm>> -> memref<128xi32, #tpu.memory_space<hbm>>
    tpu.enqueue_dma source(%dma_start3A_27 : memref<128xi32, #tpu.memory_space<hbm>>) target(%arg10 : memref<128xi32, #tpu.memory_space<vmem>>) target_semaphore(%arg25 : memref<!tpu.dma_semaphore, #tpu.memory_space<semaphore_mem>>)
    %add3A_28 = arith.constant 256 : i32
    %add3A_29 = arith.addi %mul3A_4, %add3A_28 : i32
    %dma_start3A_30 = tpu.memref_slice %arg4[%add3A_29] : memref<320000xi32, #tpu.memory_space<hbm>> -> memref<128xi32, #tpu.memory_space<hbm>>
    %dma_start3A_31 = tpu.memref_slice %arg4[%add3A_29] : memref<320000xi32, #tpu.memory_space<hbm>> -> memref<128xi32, #tpu.memory_space<hbm>>
    tpu.enqueue_dma source(%dma_start3A_31 : memref<128xi32, #tpu.memory_space<hbm>>) target(%arg16 : memref<128xi32, #tpu.memory_space<vmem>>) target_semaphore(%arg31 : memref<!tpu.dma_semaphore, #tpu.memory_space<semaphore_mem>>)
    %add3A_32 = arith.constant 384 : i32
    %add3A_33 = arith.addi %mul3A_2, %add3A_32 : i32
    %dma_start3A_34 = tpu.memref_slice %arg3[%add3A_33] : memref<323584xi32, #tpu.memory_space<hbm>> -> memref<128xi32, #tpu.memory_space<hbm>>
    %dma_start3A_35 = tpu.memref_slice %arg3[%add3A_33] : memref<323584xi32, #tpu.memory_space<hbm>> -> memref<128xi32, #tpu.memory_space<hbm>>
    tpu.enqueue_dma source(%dma_start3A_35 : memref<128xi32, #tpu.memory_space<hbm>>) target(%arg11 : memref<128xi32, #tpu.memory_space<vmem>>) target_semaphore(%arg26 : memref<!tpu.dma_semaphore, #tpu.memory_space<semaphore_mem>>)
    %add3A_36 = arith.constant 384 : i32
    %add3A_37 = arith.addi %mul3A_4, %add3A_36 : i32
    %dma_start3A_38 = tpu.memref_slice %arg4[%add3A_37] : memref<320000xi32, #tpu.memory_space<hbm>> -> memref<128xi32, #tpu.memory_space<hbm>>
    %dma_start3A_39 = tpu.memref_slice %arg4[%add3A_37] : memref<320000xi32, #tpu.memory_space<hbm>> -> memref<128xi32, #tpu.memory_space<hbm>>
    tpu.enqueue_dma source(%dma_start3A_39 : memref<128xi32, #tpu.memory_space<hbm>>) target(%arg17 : memref<128xi32, #tpu.memory_space<vmem>>) target_semaphore(%arg32 : memref<!tpu.dma_semaphore, #tpu.memory_space<semaphore_mem>>)
    %add3A_40 = arith.constant 512 : i32
    %add3A_41 = arith.addi %mul3A_2, %add3A_40 : i32
    %dma_start3A_42 = tpu.memref_slice %arg3[%add3A_41] : memref<323584xi32, #tpu.memory_space<hbm>> -> memref<128xi32, #tpu.memory_space<hbm>>
    %dma_start3A_43 = tpu.memref_slice %arg3[%add3A_41] : memref<323584xi32, #tpu.memory_space<hbm>> -> memref<128xi32, #tpu.memory_space<hbm>>
    tpu.enqueue_dma source(%dma_start3A_43 : memref<128xi32, #tpu.memory_space<hbm>>) target(%arg12 : memref<128xi32, #tpu.memory_space<vmem>>) target_semaphore(%arg27 : memref<!tpu.dma_semaphore, #tpu.memory_space<semaphore_mem>>)
    %add3A_44 = arith.constant 512 : i32
    %add3A_45 = arith.addi %mul3A_4, %add3A_44 : i32
    %dma_start3A_46 = tpu.memref_slice %arg4[%add3A_45] : memref<320000xi32, #tpu.memory_space<hbm>> -> memref<128xi32, #tpu.memory_space<hbm>>
    %dma_start3A_47 = tpu.memref_slice %arg4[%add3A_45] : memref<320000xi32, #tpu.memory_space<hbm>> -> memref<128xi32, #tpu.memory_space<hbm>>
    tpu.enqueue_dma source(%dma_start3A_47 : memref<128xi32, #tpu.memory_space<hbm>>) target(%arg18 : memref<128xi32, #tpu.memory_space<vmem>>) target_semaphore(%arg33 : memref<!tpu.dma_semaphore, #tpu.memory_space<semaphore_mem>>)
    %add3A_48 = arith.constant 640 : i32
    %add3A_49 = arith.addi %mul3A_2, %add3A_48 : i32
    %dma_start3A_50 = tpu.memref_slice %arg3[%add3A_49] : memref<323584xi32, #tpu.memory_space<hbm>> -> memref<128xi32, #tpu.memory_space<hbm>>
    %dma_start3A_51 = tpu.memref_slice %arg3[%add3A_49] : memref<323584xi32, #tpu.memory_space<hbm>> -> memref<128xi32, #tpu.memory_space<hbm>>
    tpu.enqueue_dma source(%dma_start3A_51 : memref<128xi32, #tpu.memory_space<hbm>>) target(%arg13 : memref<128xi32, #tpu.memory_space<vmem>>) target_semaphore(%arg28 : memref<!tpu.dma_semaphore, #tpu.memory_space<semaphore_mem>>)
    %add3A_52 = arith.constant 640 : i32
    %add3A_53 = arith.addi %mul3A_4, %add3A_52 : i32
    %dma_start3A_54 = tpu.memref_slice %arg4[%add3A_53] : memref<320000xi32, #tpu.memory_space<hbm>> -> memref<128xi32, #tpu.memory_space<hbm>>
    %dma_start3A_55 = tpu.memref_slice %arg4[%add3A_53] : memref<320000xi32, #tpu.memory_space<hbm>> -> memref<128xi32, #tpu.memory_space<hbm>>
    tpu.enqueue_dma source(%dma_start3A_55 : memref<128xi32, #tpu.memory_space<hbm>>) target(%arg19 : memref<128xi32, #tpu.memory_space<vmem>>) target_semaphore(%arg34 : memref<!tpu.dma_semaphore, #tpu.memory_space<semaphore_mem>>)
    %add3A_56 = arith.constant 9984 : i32
    %add3A_57 = arith.addi %mul3A_4, %add3A_56 : i32
    %dma_start3A_58 = tpu.memref_slice %arg4[%add3A_57] : memref<320000xi32, #tpu.memory_space<hbm>> -> memref<16xi32, #tpu.memory_space<hbm>>
    %dma_start3A_59 = tpu.memref_slice %arg4[%add3A_57] : memref<320000xi32, #tpu.memory_space<hbm>> -> memref<16xi32, #tpu.memory_space<hbm>>
    tpu.enqueue_dma source(%dma_start3A_59 : memref<16xi32, #tpu.memory_space<hbm>>) target(%arg20 : memref<16xi32, #tpu.memory_space<vmem>>) target_semaphore(%arg35 : memref<!tpu.dma_semaphore, #tpu.memory_space<semaphore_mem>>)
    %barrier3A = arith.constant 0 : index
    tpu.barrier barrier_id(%barrier3A)
    %dma_wait3A = tpu.memref_slice %arg3[%mul3A_2] : memref<323584xi32, #tpu.memory_space<hbm>> -> memref<128xi32, #tpu.memory_space<hbm>>
    %dma_wait3A_60 = tpu.memref_slice %arg3[%mul3A_2] : memref<323584xi32, #tpu.memory_space<hbm>> -> memref<128xi32, #tpu.memory_space<hbm>>
    tpu.wait_dma2 semaphore(%arg23 : memref<!tpu.dma_semaphore, #tpu.memory_space<semaphore_mem>>) src(%dma_wait3A_60 : memref<128xi32, #tpu.memory_space<hbm>>) dst(%arg8 : memref<128xi32, #tpu.memory_space<vmem>>)
    %dma_start3A_61 = arith.constant 0 : i32
    %dma_start3A_62 = arith.constant 0 : i32
    %dma_start3A_63 = tpu.memref_slice %arg2[%dma_start3A_61, %dma_start3A_62] : memref<10000x128xf32, #tpu.memory_space<hbm>> -> memref<10000x128xf32, #tpu.memory_space<hbm>>
    tpu.enqueue_indirect_dma source(%dma_start3A_63 : memref<10000x128xf32, #tpu.memory_space<hbm>>) target(%arg21 : memref<128x128xf32, #tpu.memory_space<vmem>>) offsets(%arg8 : memref<128xi32, #tpu.memory_space<vmem>>) semaphore(%arg36 : memref<!tpu.dma_semaphore, #tpu.memory_space<semaphore_mem>>)
    %scan3A = arith.constant 0 : i32
    %scan3A_64 = arith.constant 13 : i32
    %scan3A_65 = arith.addi %scan3A, %scan3A_64 : i32
    %scan3A_66 = arith.constant 1 : i32
    scf.for %scan3A_83 = %scan3A to %scan3A_65 step %scan3A_66  : i32 {
      %mul3A_84 = arith.constant 6 : i32
      %mul3A_85 = arith.muli %scan3A_83, %mul3A_84 : i32
      %add3A_86 = arith.constant 0 : i32
      %add3A_87 = arith.addi %mul3A_85, %add3A_86 : i32
      %dma_wait3A_88 = tpu.memref_slice %arg3[%mul3A_2] : memref<323584xi32, #tpu.memory_space<hbm>> -> memref<128xi32, #tpu.memory_space<hbm>>
      %dma_wait3A_89 = tpu.memref_slice %arg3[%mul3A_2] : memref<323584xi32, #tpu.memory_space<hbm>> -> memref<128xi32, #tpu.memory_space<hbm>>
      tpu.wait_dma2 semaphore(%arg24 : memref<!tpu.dma_semaphore, #tpu.memory_space<semaphore_mem>>) src(%dma_wait3A_89 : memref<128xi32, #tpu.memory_space<hbm>>) dst(%arg9 : memref<128xi32, #tpu.memory_space<vmem>>)
      %dma_start3A_90 = arith.constant 0 : i32
      %dma_start3A_91 = arith.constant 0 : i32
      %dma_start3A_92 = tpu.memref_slice %arg2[%dma_start3A_90, %dma_start3A_91] : memref<10000x128xf32, #tpu.memory_space<hbm>> -> memref<10000x128xf32, #tpu.memory_space<hbm>>
      tpu.enqueue_indirect_dma source(%dma_start3A_92 : memref<10000x128xf32, #tpu.memory_space<hbm>>) target(%arg22 : memref<128x128xf32, #tpu.memory_space<vmem>>) offsets(%arg9 : memref<128xi32, #tpu.memory_space<vmem>>) semaphore(%arg37 : memref<!tpu.dma_semaphore, #tpu.memory_space<semaphore_mem>>)
      %dma_wait3A_93 = arith.constant 0 : i32
      %dma_wait3A_94 = arith.constant 0 : i32
      %dma_wait3A_95 = tpu.memref_slice %arg2[%dma_wait3A_93, %dma_wait3A_94] : memref<10000x128xf32, #tpu.memory_space<hbm>> -> memref<10000x128xf32, #tpu.memory_space<hbm>>
      tpu.wait_indirect_dma semaphore(%arg36 : memref<!tpu.dma_semaphore, #tpu.memory_space<semaphore_mem>>) src(%dma_wait3A_95 : memref<10000x128xf32, #tpu.memory_space<hbm>>) dst(%arg21 : memref<128x128xf32, #tpu.memory_space<vmem>>)
      %add3A_96 = arith.constant 6 : i32
      %add3A_97 = arith.addi %add3A_87, %add3A_96 : i32
      %le3A = arith.constant 78 : i32
      %le3A_98 = arith.cmpi sle, %add3A_97, %le3A : i32
      %convert_element_type3A_99 = arith.extui %le3A_98 : i1 to i32
      %cond3A_100 = arith.constant 0 : i32
      %cond3A_101 = arith.cmpi ne, %convert_element_type3A_99, %cond3A_100 : i32
      scf.if %cond3A_101 {
        %add3A_240 = arith.constant 6 : i32
        %add3A_241 = arith.addi %add3A_87, %add3A_240 : i32
        %mul3A_242 = arith.constant 128 : i32
        %mul3A_243 = arith.muli %add3A_241, %mul3A_242 : i32
        %add3A_244 = arith.addi %mul3A_2, %mul3A_243 : i32
        %dma_start3A_245 = tpu.memref_slice %arg3[%add3A_244] : memref<323584xi32, #tpu.memory_space<hbm>> -> memref<128xi32, #tpu.memory_space<hbm>>
        %dma_start3A_246 = tpu.memref_slice %arg3[%add3A_244] : memref<323584xi32, #tpu.memory_space<hbm>> -> memref<128xi32, #tpu.memory_space<hbm>>
        tpu.enqueue_dma source(%dma_start3A_246 : memref<128xi32, #tpu.memory_space<hbm>>) target(%arg8 : memref<128xi32, #tpu.memory_space<vmem>>) target_semaphore(%arg23 : memref<!tpu.dma_semaphore, #tpu.memory_space<semaphore_mem>>)
      } else {
      }
      %dma_wait3A_102 = tpu.memref_slice %arg3[%mul3A_2] : memref<323584xi32, #tpu.memory_space<hbm>> -> memref<128xi32, #tpu.memory_space<hbm>>
      %dma_wait3A_103 = tpu.memref_slice %arg3[%mul3A_2] : memref<323584xi32, #tpu.memory_space<hbm>> -> memref<128xi32, #tpu.memory_space<hbm>>
      tpu.wait_dma2 semaphore(%arg29 : memref<!tpu.dma_semaphore, #tpu.memory_space<semaphore_mem>>) src(%dma_wait3A_103 : memref<128xi32, #tpu.memory_space<hbm>>) dst(%arg14 : memref<128xi32, #tpu.memory_space<vmem>>)
      "tpu.region"() ({
        %run_scoped3A = tpu.sem_alloc : memref<!tpu.dma_semaphore, #tpu.memory_space<semaphore_mem>>
        %dma_start3A_240 = arith.constant 0 : i32
        %dma_start3A_241 = arith.constant 0 : i32
        %dma_start3A_242 = tpu.memref_slice %arg7[%dma_start3A_240, %dma_start3A_241] : memref<10000x128xf32, #tpu.memory_space<vmem_shared>> -> memref<10000x128xf32, #tpu.memory_space<vmem_shared>>
        tpu.enqueue_indirect_dma source(%arg21 : memref<128x128xf32, #tpu.memory_space<vmem>>) target(%dma_start3A_242 : memref<10000x128xf32, #tpu.memory_space<vmem_shared>>) offsets(%arg14 : memref<128xi32, #tpu.memory_space<vmem>>) semaphore(%run_scoped3A : memref<!tpu.dma_semaphore, #tpu.memory_space<semaphore_mem>>) {add = true}
        %dma_wait3A_243 = arith.constant 0 : i32
        %dma_wait3A_244 = arith.constant 0 : i32
        %dma_wait3A_245 = tpu.memref_slice %arg7[%dma_wait3A_243, %dma_wait3A_244] : memref<10000x128xf32, #tpu.memory_space<vmem_shared>> -> memref<10000x128xf32, #tpu.memory_space<vmem_shared>>
        tpu.wait_indirect_dma semaphore(%run_scoped3A : memref<!tpu.dma_semaphore, #tpu.memory_space<semaphore_mem>>) src(%arg21 : memref<128x128xf32, #tpu.memory_space<vmem>>) dst(%dma_wait3A_245 : memref<10000x128xf32, #tpu.memory_space<vmem_shared>>)
        tpu.yield
      }) : () -> ()
      %add3A_104 = arith.constant 6 : i32
      %add3A_105 = arith.addi %add3A_87, %add3A_104 : i32
      %lt3A = arith.constant 78 : i32
      %lt3A_106 = arith.cmpi slt, %add3A_105, %lt3A : i32
      %convert_element_type3A_107 = arith.extui %lt3A_106 : i1 to i32
      %cond3A_108 = arith.constant 0 : i32
      %cond3A_109 = arith.cmpi ne, %convert_element_type3A_107, %cond3A_108 : i32
      scf.if %cond3A_109 {
        %add3A_240 = arith.constant 6 : i32
        %add3A_241 = arith.addi %add3A_87, %add3A_240 : i32
        %mul3A_242 = arith.constant 128 : i32
        %mul3A_243 = arith.muli %add3A_241, %mul3A_242 : i32
        %add3A_244 = arith.addi %mul3A_4, %mul3A_243 : i32
        %dma_start3A_245 = tpu.memref_slice %arg4[%add3A_244] : memref<320000xi32, #tpu.memory_space<hbm>> -> memref<128xi32, #tpu.memory_space<hbm>>
        %dma_start3A_246 = tpu.memref_slice %arg4[%add3A_244] : memref<320000xi32, #tpu.memory_space<hbm>> -> memref<128xi32, #tpu.memory_space<hbm>>
        tpu.enqueue_dma source(%dma_start3A_246 : memref<128xi32, #tpu.memory_space<hbm>>) target(%arg14 : memref<128xi32, #tpu.memory_space<vmem>>) target_semaphore(%arg29 : memref<!tpu.dma_semaphore, #tpu.memory_space<semaphore_mem>>)
      } else {
      }
      %add3A_110 = arith.constant 1 : i32
      %add3A_111 = arith.addi %mul3A_85, %add3A_110 : i32
      %dma_wait3A_112 = tpu.memref_slice %arg3[%mul3A_2] : memref<323584xi32, #tpu.memory_space<hbm>> -> memref<128xi32, #tpu.memory_space<hbm>>
      %dma_wait3A_113 = tpu.memref_slice %arg3[%mul3A_2] : memref<323584xi32, #tpu.memory_space<hbm>> -> memref<128xi32, #tpu.memory_space<hbm>>
      tpu.wait_dma2 semaphore(%arg25 : memref<!tpu.dma_semaphore, #tpu.memory_space<semaphore_mem>>) src(%dma_wait3A_113 : memref<128xi32, #tpu.memory_space<hbm>>) dst(%arg10 : memref<128xi32, #tpu.memory_space<vmem>>)
      %dma_start3A_114 = arith.constant 0 : i32
      %dma_start3A_115 = arith.constant 0 : i32
      %dma_start3A_116 = tpu.memref_slice %arg2[%dma_start3A_114, %dma_start3A_115] : memref<10000x128xf32, #tpu.memory_space<hbm>> -> memref<10000x128xf32, #tpu.memory_space<hbm>>
      tpu.enqueue_indirect_dma source(%dma_start3A_116 : memref<10000x128xf32, #tpu.memory_space<hbm>>) target(%arg21 : memref<128x128xf32, #tpu.memory_space<vmem>>) offsets(%arg10 : memref<128xi32, #tpu.memory_space<vmem>>) semaphore(%arg36 : memref<!tpu.dma_semaphore, #tpu.memory_space<semaphore_mem>>)
      %dma_wait3A_117 = arith.constant 0 : i32
      %dma_wait3A_118 = arith.constant 0 : i32
      %dma_wait3A_119 = tpu.memref_slice %arg2[%dma_wait3A_117, %dma_wait3A_118] : memref<10000x128xf32, #tpu.memory_space<hbm>> -> memref<10000x128xf32, #tpu.memory_space<hbm>>
      tpu.wait_indirect_dma semaphore(%arg37 : memref<!tpu.dma_semaphore, #tpu.memory_space<semaphore_mem>>) src(%dma_wait3A_119 : memref<10000x128xf32, #tpu.memory_space<hbm>>) dst(%arg22 : memref<128x128xf32, #tpu.memory_space<vmem>>)
      %add3A_120 = arith.constant 6 : i32
      %add3A_121 = arith.addi %add3A_111, %add3A_120 : i32
      %le3A_122 = arith.constant 78 : i32
      %le3A_123 = arith.cmpi sle, %add3A_121, %le3A_122 : i32
      %convert_element_type3A_124 = arith.extui %le3A_123 : i1 to i32
      %cond3A_125 = arith.constant 0 : i32
      %cond3A_126 = arith.cmpi ne, %convert_element_type3A_124, %cond3A_125 : i32
      scf.if %cond3A_126 {
        %add3A_240 = arith.constant 6 : i32
        %add3A_241 = arith.addi %add3A_111, %add3A_240 : i32
        %mul3A_242 = arith.constant 128 : i32
        %mul3A_243 = arith.muli %add3A_241, %mul3A_242 : i32
        %add3A_244 = arith.addi %mul3A_2, %mul3A_243 : i32
        %dma_start3A_245 = tpu.memref_slice %arg3[%add3A_244] : memref<323584xi32, #tpu.memory_space<hbm>> -> memref<128xi32, #tpu.memory_space<hbm>>
        %dma_start3A_246 = tpu.memref_slice %arg3[%add3A_244] : memref<323584xi32, #tpu.memory_space<hbm>> -> memref<128xi32, #tpu.memory_space<hbm>>
        tpu.enqueue_dma source(%dma_start3A_246 : memref<128xi32, #tpu.memory_space<hbm>>) target(%arg9 : memref<128xi32, #tpu.memory_space<vmem>>) target_semaphore(%arg24 : memref<!tpu.dma_semaphore, #tpu.memory_space<semaphore_mem>>)
      } else {
      }
      %dma_wait3A_127 = tpu.memref_slice %arg3[%mul3A_2] : memref<323584xi32, #tpu.memory_space<hbm>> -> memref<128xi32, #tpu.memory_space<hbm>>
      %dma_wait3A_128 = tpu.memref_slice %arg3[%mul3A_2] : memref<323584xi32, #tpu.memory_space<hbm>> -> memref<128xi32, #tpu.memory_space<hbm>>
      tpu.wait_dma2 semaphore(%arg30 : memref<!tpu.dma_semaphore, #tpu.memory_space<semaphore_mem>>) src(%dma_wait3A_128 : memref<128xi32, #tpu.memory_space<hbm>>) dst(%arg15 : memref<128xi32, #tpu.memory_space<vmem>>)
      "tpu.region"() ({
        %run_scoped3A = tpu.sem_alloc : memref<!tpu.dma_semaphore, #tpu.memory_space<semaphore_mem>>
        %dma_start3A_240 = arith.constant 0 : i32
        %dma_start3A_241 = arith.constant 0 : i32
        %dma_start3A_242 = tpu.memref_slice %arg7[%dma_start3A_240, %dma_start3A_241] : memref<10000x128xf32, #tpu.memory_space<vmem_shared>> -> memref<10000x128xf32, #tpu.memory_space<vmem_shared>>
        tpu.enqueue_indirect_dma source(%arg22 : memref<128x128xf32, #tpu.memory_space<vmem>>) target(%dma_start3A_242 : memref<10000x128xf32, #tpu.memory_space<vmem_shared>>) offsets(%arg15 : memref<128xi32, #tpu.memory_space<vmem>>) semaphore(%run_scoped3A : memref<!tpu.dma_semaphore, #tpu.memory_space<semaphore_mem>>) {add = true}
        %dma_wait3A_243 = arith.constant 0 : i32
        %dma_wait3A_244 = arith.constant 0 : i32
        %dma_wait3A_245 = tpu.memref_slice %arg7[%dma_wait3A_243, %dma_wait3A_244] : memref<10000x128xf32, #tpu.memory_space<vmem_shared>> -> memref<10000x128xf32, #tpu.memory_space<vmem_shared>>
        tpu.wait_indirect_dma semaphore(%run_scoped3A : memref<!tpu.dma_semaphore, #tpu.memory_space<semaphore_mem>>) src(%arg22 : memref<128x128xf32, #tpu.memory_space<vmem>>) dst(%dma_wait3A_245 : memref<10000x128xf32, #tpu.memory_space<vmem_shared>>)
        tpu.yield
      }) : () -> ()
      %add3A_129 = arith.constant 6 : i32
      %add3A_130 = arith.addi %add3A_111, %add3A_129 : i32
      %lt3A_131 = arith.constant 78 : i32
      %lt3A_132 = arith.cmpi slt, %add3A_130, %lt3A_131 : i32
      %convert_element_type3A_133 = arith.extui %lt3A_132 : i1 to i32
      %cond3A_134 = arith.constant 0 : i32
      %cond3A_135 = arith.cmpi ne, %convert_element_type3A_133, %cond3A_134 : i32
      scf.if %cond3A_135 {
        %add3A_240 = arith.constant 6 : i32
        %add3A_241 = arith.addi %add3A_111, %add3A_240 : i32
        %mul3A_242 = arith.constant 128 : i32
        %mul3A_243 = arith.muli %add3A_241, %mul3A_242 : i32
        %add3A_244 = arith.addi %mul3A_4, %mul3A_243 : i32
        %dma_start3A_245 = tpu.memref_slice %arg4[%add3A_244] : memref<320000xi32, #tpu.memory_space<hbm>> -> memref<128xi32, #tpu.memory_space<hbm>>
        %dma_start3A_246 = tpu.memref_slice %arg4[%add3A_244] : memref<320000xi32, #tpu.memory_space<hbm>> -> memref<128xi32, #tpu.memory_space<hbm>>
        tpu.enqueue_dma source(%dma_start3A_246 : memref<128xi32, #tpu.memory_space<hbm>>) target(%arg15 : memref<128xi32, #tpu.memory_space<vmem>>) target_semaphore(%arg30 : memref<!tpu.dma_semaphore, #tpu.memory_space<semaphore_mem>>)
      } else {
      }
      %add3A_136 = arith.constant 2 : i32
      %add3A_137 = arith.addi %mul3A_85, %add3A_136 : i32
      %dma_wait3A_138 = tpu.memref_slice %arg3[%mul3A_2] : memref<323584xi32, #tpu.memory_space<hbm>> -> memref<128xi32, #tpu.memory_space<hbm>>
      %dma_wait3A_139 = tpu.memref_slice %arg3[%mul3A_2] : memref<323584xi32, #tpu.memory_space<hbm>> -> memref<128xi32, #tpu.memory_space<hbm>>
      tpu.wait_dma2 semaphore(%arg26 : memref<!tpu.dma_semaphore, #tpu.memory_space<semaphore_mem>>) src(%dma_wait3A_139 : memref<128xi32, #tpu.memory_space<hbm>>) dst(%arg11 : memref<128xi32, #tpu.memory_space<vmem>>)
      %dma_start3A_140 = arith.constant 0 : i32
      %dma_start3A_141 = arith.constant 0 : i32
      %dma_start3A_142 = tpu.memref_slice %arg2[%dma_start3A_140, %dma_start3A_141] : memref<10000x128xf32, #tpu.memory_space<hbm>> -> memref<10000x128xf32, #tpu.memory_space<hbm>>
      tpu.enqueue_indirect_dma source(%dma_start3A_142 : memref<10000x128xf32, #tpu.memory_space<hbm>>) target(%arg22 : memref<128x128xf32, #tpu.memory_space<vmem>>) offsets(%arg11 : memref<128xi32, #tpu.memory_space<vmem>>) semaphore(%arg37 : memref<!tpu.dma_semaphore, #tpu.memory_space<semaphore_mem>>)
      %dma_wait3A_143 = arith.constant 0 : i32
      %dma_wait3A_144 = arith.constant 0 : i32
      %dma_wait3A_145 = tpu.memref_slice %arg2[%dma_wait3A_143, %dma_wait3A_144] : memref<10000x128xf32, #tpu.memory_space<hbm>> -> memref<10000x128xf32, #tpu.memory_space<hbm>>
      tpu.wait_indirect_dma semaphore(%arg36 : memref<!tpu.dma_semaphore, #tpu.memory_space<semaphore_mem>>) src(%dma_wait3A_145 : memref<10000x128xf32, #tpu.memory_space<hbm>>) dst(%arg21 : memref<128x128xf32, #tpu.memory_space<vmem>>)
      %add3A_146 = arith.constant 6 : i32
      %add3A_147 = arith.addi %add3A_137, %add3A_146 : i32
      %le3A_148 = arith.constant 78 : i32
      %le3A_149 = arith.cmpi sle, %add3A_147, %le3A_148 : i32
      %convert_element_type3A_150 = arith.extui %le3A_149 : i1 to i32
      %cond3A_151 = arith.constant 0 : i32
      %cond3A_152 = arith.cmpi ne, %convert_element_type3A_150, %cond3A_151 : i32
      scf.if %cond3A_152 {
        %add3A_240 = arith.constant 6 : i32
        %add3A_241 = arith.addi %add3A_137, %add3A_240 : i32
        %mul3A_242 = arith.constant 128 : i32
        %mul3A_243 = arith.muli %add3A_241, %mul3A_242 : i32
        %add3A_244 = arith.addi %mul3A_2, %mul3A_243 : i32
        %dma_start3A_245 = tpu.memref_slice %arg3[%add3A_244] : memref<323584xi32, #tpu.memory_space<hbm>> -> memref<128xi32, #tpu.memory_space<hbm>>
        %dma_start3A_246 = tpu.memref_slice %arg3[%add3A_244] : memref<323584xi32, #tpu.memory_space<hbm>> -> memref<128xi32, #tpu.memory_space<hbm>>
        tpu.enqueue_dma source(%dma_start3A_246 : memref<128xi32, #tpu.memory_space<hbm>>) target(%arg10 : memref<128xi32, #tpu.memory_space<vmem>>) target_semaphore(%arg25 : memref<!tpu.dma_semaphore, #tpu.memory_space<semaphore_mem>>)
      } else {
      }
      %dma_wait3A_153 = tpu.memref_slice %arg3[%mul3A_2] : memref<323584xi32, #tpu.memory_space<hbm>> -> memref<128xi32, #tpu.memory_space<hbm>>
      %dma_wait3A_154 = tpu.memref_slice %arg3[%mul3A_2] : memref<323584xi32, #tpu.memory_space<hbm>> -> memref<128xi32, #tpu.memory_space<hbm>>
      tpu.wait_dma2 semaphore(%arg31 : memref<!tpu.dma_semaphore, #tpu.memory_space<semaphore_mem>>) src(%dma_wait3A_154 : memref<128xi32, #tpu.memory_space<hbm>>) dst(%arg16 : memref<128xi32, #tpu.memory_space<vmem>>)
      "tpu.region"() ({
        %run_scoped3A = tpu.sem_alloc : memref<!tpu.dma_semaphore, #tpu.memory_space<semaphore_mem>>
        %dma_start3A_240 = arith.constant 0 : i32
        %dma_start3A_241 = arith.constant 0 : i32
        %dma_start3A_242 = tpu.memref_slice %arg7[%dma_start3A_240, %dma_start3A_241] : memref<10000x128xf32, #tpu.memory_space<vmem_shared>> -> memref<10000x128xf32, #tpu.memory_space<vmem_shared>>
        tpu.enqueue_indirect_dma source(%arg21 : memref<128x128xf32, #tpu.memory_space<vmem>>) target(%dma_start3A_242 : memref<10000x128xf32, #tpu.memory_space<vmem_shared>>) offsets(%arg16 : memref<128xi32, #tpu.memory_space<vmem>>) semaphore(%run_scoped3A : memref<!tpu.dma_semaphore, #tpu.memory_space<semaphore_mem>>) {add = true}
        %dma_wait3A_243 = arith.constant 0 : i32
        %dma_wait3A_244 = arith.constant 0 : i32
        %dma_wait3A_245 = tpu.memref_slice %arg7[%dma_wait3A_243, %dma_wait3A_244] : memref<10000x128xf32, #tpu.memory_space<vmem_shared>> -> memref<10000x128xf32, #tpu.memory_space<vmem_shared>>
        tpu.wait_indirect_dma semaphore(%run_scoped3A : memref<!tpu.dma_semaphore, #tpu.memory_space<semaphore_mem>>) src(%arg21 : memref<128x128xf32, #tpu.memory_space<vmem>>) dst(%dma_wait3A_245 : memref<10000x128xf32, #tpu.memory_space<vmem_shared>>)
        tpu.yield
      }) : () -> ()
      %add3A_155 = arith.constant 6 : i32
      %add3A_156 = arith.addi %add3A_137, %add3A_155 : i32
      %lt3A_157 = arith.constant 78 : i32
      %lt3A_158 = arith.cmpi slt, %add3A_156, %lt3A_157 : i32
      %convert_element_type3A_159 = arith.extui %lt3A_158 : i1 to i32
      %cond3A_160 = arith.constant 0 : i32
      %cond3A_161 = arith.cmpi ne, %convert_element_type3A_159, %cond3A_160 : i32
      scf.if %cond3A_161 {
        %add3A_240 = arith.constant 6 : i32
        %add3A_241 = arith.addi %add3A_137, %add3A_240 : i32
        %mul3A_242 = arith.constant 128 : i32
        %mul3A_243 = arith.muli %add3A_241, %mul3A_242 : i32
        %add3A_244 = arith.addi %mul3A_4, %mul3A_243 : i32
        %dma_start3A_245 = tpu.memref_slice %arg4[%add3A_244] : memref<320000xi32, #tpu.memory_space<hbm>> -> memref<128xi32, #tpu.memory_space<hbm>>
        %dma_start3A_246 = tpu.memref_slice %arg4[%add3A_244] : memref<320000xi32, #tpu.memory_space<hbm>> -> memref<128xi32, #tpu.memory_space<hbm>>
        tpu.enqueue_dma source(%dma_start3A_246 : memref<128xi32, #tpu.memory_space<hbm>>) target(%arg16 : memref<128xi32, #tpu.memory_space<vmem>>) target_semaphore(%arg31 : memref<!tpu.dma_semaphore, #tpu.memory_space<semaphore_mem>>)
      } else {
      }
      %add3A_162 = arith.constant 3 : i32
      %add3A_163 = arith.addi %mul3A_85, %add3A_162 : i32
      %dma_wait3A_164 = tpu.memref_slice %arg3[%mul3A_2] : memref<323584xi32, #tpu.memory_space<hbm>> -> memref<128xi32, #tpu.memory_space<hbm>>
      %dma_wait3A_165 = tpu.memref_slice %arg3[%mul3A_2] : memref<323584xi32, #tpu.memory_space<hbm>> -> memref<128xi32, #tpu.memory_space<hbm>>
      tpu.wait_dma2 semaphore(%arg27 : memref<!tpu.dma_semaphore, #tpu.memory_space<semaphore_mem>>) src(%dma_wait3A_165 : memref<128xi32, #tpu.memory_space<hbm>>) dst(%arg12 : memref<128xi32, #tpu.memory_space<vmem>>)
      %dma_start3A_166 = arith.constant 0 : i32
      %dma_start3A_167 = arith.constant 0 : i32
      %dma_start3A_168 = tpu.memref_slice %arg2[%dma_start3A_166, %dma_start3A_167] : memref<10000x128xf32, #tpu.memory_space<hbm>> -> memref<10000x128xf32, #tpu.memory_space<hbm>>
      tpu.enqueue_indirect_dma source(%dma_start3A_168 : memref<10000x128xf32, #tpu.memory_space<hbm>>) target(%arg21 : memref<128x128xf32, #tpu.memory_space<vmem>>) offsets(%arg12 : memref<128xi32, #tpu.memory_space<vmem>>) semaphore(%arg36 : memref<!tpu.dma_semaphore, #tpu.memory_space<semaphore_mem>>)
      %dma_wait3A_169 = arith.constant 0 : i32
      %dma_wait3A_170 = arith.constant 0 : i32
      %dma_wait3A_171 = tpu.memref_slice %arg2[%dma_wait3A_169, %dma_wait3A_170] : memref<10000x128xf32, #tpu.memory_space<hbm>> -> memref<10000x128xf32, #tpu.memory_space<hbm>>
      tpu.wait_indirect_dma semaphore(%arg37 : memref<!tpu.dma_semaphore, #tpu.memory_space<semaphore_mem>>) src(%dma_wait3A_171 : memref<10000x128xf32, #tpu.memory_space<hbm>>) dst(%arg22 : memref<128x128xf32, #tpu.memory_space<vmem>>)
      %add3A_172 = arith.constant 6 : i32
      %add3A_173 = arith.addi %add3A_163, %add3A_172 : i32
      %le3A_174 = arith.constant 78 : i32
      %le3A_175 = arith.cmpi sle, %add3A_173, %le3A_174 : i32
      %convert_element_type3A_176 = arith.extui %le3A_175 : i1 to i32
      %cond3A_177 = arith.constant 0 : i32
      %cond3A_178 = arith.cmpi ne, %convert_element_type3A_176, %cond3A_177 : i32
      scf.if %cond3A_178 {
        %add3A_240 = arith.constant 6 : i32
        %add3A_241 = arith.addi %add3A_163, %add3A_240 : i32
        %mul3A_242 = arith.constant 128 : i32
        %mul3A_243 = arith.muli %add3A_241, %mul3A_242 : i32
        %add3A_244 = arith.addi %mul3A_2, %mul3A_243 : i32
        %dma_start3A_245 = tpu.memref_slice %arg3[%add3A_244] : memref<323584xi32, #tpu.memory_space<hbm>> -> memref<128xi32, #tpu.memory_space<hbm>>
        %dma_start3A_246 = tpu.memref_slice %arg3[%add3A_244] : memref<323584xi32, #tpu.memory_space<hbm>> -> memref<128xi32, #tpu.memory_space<hbm>>
        tpu.enqueue_dma source(%dma_start3A_246 : memref<128xi32, #tpu.memory_space<hbm>>) target(%arg11 : memref<128xi32, #tpu.memory_space<vmem>>) target_semaphore(%arg26 : memref<!tpu.dma_semaphore, #tpu.memory_space<semaphore_mem>>)
      } else {
      }
      %dma_wait3A_179 = tpu.memref_slice %arg3[%mul3A_2] : memref<323584xi32, #tpu.memory_space<hbm>> -> memref<128xi32, #tpu.memory_space<hbm>>
      %dma_wait3A_180 = tpu.memref_slice %arg3[%mul3A_2] : memref<323584xi32, #tpu.memory_space<hbm>> -> memref<128xi32, #tpu.memory_space<hbm>>
      tpu.wait_dma2 semaphore(%arg32 : memref<!tpu.dma_semaphore, #tpu.memory_space<semaphore_mem>>) src(%dma_wait3A_180 : memref<128xi32, #tpu.memory_space<hbm>>) dst(%arg17 : memref<128xi32, #tpu.memory_space<vmem>>)
      "tpu.region"() ({
        %run_scoped3A = tpu.sem_alloc : memref<!tpu.dma_semaphore, #tpu.memory_space<semaphore_mem>>
        %dma_start3A_240 = arith.constant 0 : i32
        %dma_start3A_241 = arith.constant 0 : i32
        %dma_start3A_242 = tpu.memref_slice %arg7[%dma_start3A_240, %dma_start3A_241] : memref<10000x128xf32, #tpu.memory_space<vmem_shared>> -> memref<10000x128xf32, #tpu.memory_space<vmem_shared>>
        tpu.enqueue_indirect_dma source(%arg22 : memref<128x128xf32, #tpu.memory_space<vmem>>) target(%dma_start3A_242 : memref<10000x128xf32, #tpu.memory_space<vmem_shared>>) offsets(%arg17 : memref<128xi32, #tpu.memory_space<vmem>>) semaphore(%run_scoped3A : memref<!tpu.dma_semaphore, #tpu.memory_space<semaphore_mem>>) {add = true}
        %dma_wait3A_243 = arith.constant 0 : i32
        %dma_wait3A_244 = arith.constant 0 : i32
        %dma_wait3A_245 = tpu.memref_slice %arg7[%dma_wait3A_243, %dma_wait3A_244] : memref<10000x128xf32, #tpu.memory_space<vmem_shared>> -> memref<10000x128xf32, #tpu.memory_space<vmem_shared>>
        tpu.wait_indirect_dma semaphore(%run_scoped3A : memref<!tpu.dma_semaphore, #tpu.memory_space<semaphore_mem>>) src(%arg22 : memref<128x128xf32, #tpu.memory_space<vmem>>) dst(%dma_wait3A_245 : memref<10000x128xf32, #tpu.memory_space<vmem_shared>>)
        tpu.yield
      }) : () -> ()
      %add3A_181 = arith.constant 6 : i32
      %add3A_182 = arith.addi %add3A_163, %add3A_181 : i32
      %lt3A_183 = arith.constant 78 : i32
      %lt3A_184 = arith.cmpi slt, %add3A_182, %lt3A_183 : i32
      %convert_element_type3A_185 = arith.extui %lt3A_184 : i1 to i32
      %cond3A_186 = arith.constant 0 : i32
      %cond3A_187 = arith.cmpi ne, %convert_element_type3A_185, %cond3A_186 : i32
      scf.if %cond3A_187 {
        %add3A_240 = arith.constant 6 : i32
        %add3A_241 = arith.addi %add3A_163, %add3A_240 : i32
        %mul3A_242 = arith.constant 128 : i32
        %mul3A_243 = arith.muli %add3A_241, %mul3A_242 : i32
        %add3A_244 = arith.addi %mul3A_4, %mul3A_243 : i32
        %dma_start3A_245 = tpu.memref_slice %arg4[%add3A_244] : memref<320000xi32, #tpu.memory_space<hbm>> -> memref<128xi32, #tpu.memory_space<hbm>>
        %dma_start3A_246 = tpu.memref_slice %arg4[%add3A_244] : memref<320000xi32, #tpu.memory_space<hbm>> -> memref<128xi32, #tpu.memory_space<hbm>>
        tpu.enqueue_dma source(%dma_start3A_246 : memref<128xi32, #tpu.memory_space<hbm>>) target(%arg17 : memref<128xi32, #tpu.memory_space<vmem>>) target_semaphore(%arg32 : memref<!tpu.dma_semaphore, #tpu.memory_space<semaphore_mem>>)
      } else {
      }
      %add3A_188 = arith.constant 4 : i32
      %add3A_189 = arith.addi %mul3A_85, %add3A_188 : i32
      %dma_wait3A_190 = tpu.memref_slice %arg3[%mul3A_2] : memref<323584xi32, #tpu.memory_space<hbm>> -> memref<128xi32, #tpu.memory_space<hbm>>
      %dma_wait3A_191 = tpu.memref_slice %arg3[%mul3A_2] : memref<323584xi32, #tpu.memory_space<hbm>> -> memref<128xi32, #tpu.memory_space<hbm>>
      tpu.wait_dma2 semaphore(%arg28 : memref<!tpu.dma_semaphore, #tpu.memory_space<semaphore_mem>>) src(%dma_wait3A_191 : memref<128xi32, #tpu.memory_space<hbm>>) dst(%arg13 : memref<128xi32, #tpu.memory_space<vmem>>)
      %dma_start3A_192 = arith.constant 0 : i32
      %dma_start3A_193 = arith.constant 0 : i32
      %dma_start3A_194 = tpu.memref_slice %arg2[%dma_start3A_192, %dma_start3A_193] : memref<10000x128xf32, #tpu.memory_space<hbm>> -> memref<10000x128xf32, #tpu.memory_space<hbm>>
      tpu.enqueue_indirect_dma source(%dma_start3A_194 : memref<10000x128xf32, #tpu.memory_space<hbm>>) target(%arg22 : memref<128x128xf32, #tpu.memory_space<vmem>>) offsets(%arg13 : memref<128xi32, #tpu.memory_space<vmem>>) semaphore(%arg37 : memref<!tpu.dma_semaphore, #tpu.memory_space<semaphore_mem>>)
      %dma_wait3A_195 = arith.constant 0 : i32
      %dma_wait3A_196 = arith.constant 0 : i32
      %dma_wait3A_197 = tpu.memref_slice %arg2[%dma_wait3A_195, %dma_wait3A_196] : memref<10000x128xf32, #tpu.memory_space<hbm>> -> memref<10000x128xf32, #tpu.memory_space<hbm>>
      tpu.wait_indirect_dma semaphore(%arg36 : memref<!tpu.dma_semaphore, #tpu.memory_space<semaphore_mem>>) src(%dma_wait3A_197 : memref<10000x128xf32, #tpu.memory_space<hbm>>) dst(%arg21 : memref<128x128xf32, #tpu.memory_space<vmem>>)
      %add3A_198 = arith.constant 6 : i32
      %add3A_199 = arith.addi %add3A_189, %add3A_198 : i32
      %le3A_200 = arith.constant 78 : i32
      %le3A_201 = arith.cmpi sle, %add3A_199, %le3A_200 : i32
      %convert_element_type3A_202 = arith.extui %le3A_201 : i1 to i32
      %cond3A_203 = arith.constant 0 : i32
      %cond3A_204 = arith.cmpi ne, %convert_element_type3A_202, %cond3A_203 : i32
      scf.if %cond3A_204 {
        %add3A_240 = arith.constant 6 : i32
        %add3A_241 = arith.addi %add3A_189, %add3A_240 : i32
        %mul3A_242 = arith.constant 128 : i32
        %mul3A_243 = arith.muli %add3A_241, %mul3A_242 : i32
        %add3A_244 = arith.addi %mul3A_2, %mul3A_243 : i32
        %dma_start3A_245 = tpu.memref_slice %arg3[%add3A_244] : memref<323584xi32, #tpu.memory_space<hbm>> -> memref<128xi32, #tpu.memory_space<hbm>>
        %dma_start3A_246 = tpu.memref_slice %arg3[%add3A_244] : memref<323584xi32, #tpu.memory_space<hbm>> -> memref<128xi32, #tpu.memory_space<hbm>>
        tpu.enqueue_dma source(%dma_start3A_246 : memref<128xi32, #tpu.memory_space<hbm>>) target(%arg12 : memref<128xi32, #tpu.memory_space<vmem>>) target_semaphore(%arg27 : memref<!tpu.dma_semaphore, #tpu.memory_space<semaphore_mem>>)
      } else {
      }
      %dma_wait3A_205 = tpu.memref_slice %arg3[%mul3A_2] : memref<323584xi32, #tpu.memory_space<hbm>> -> memref<128xi32, #tpu.memory_space<hbm>>
      %dma_wait3A_206 = tpu.memref_slice %arg3[%mul3A_2] : memref<323584xi32, #tpu.memory_space<hbm>> -> memref<128xi32, #tpu.memory_space<hbm>>
      tpu.wait_dma2 semaphore(%arg33 : memref<!tpu.dma_semaphore, #tpu.memory_space<semaphore_mem>>) src(%dma_wait3A_206 : memref<128xi32, #tpu.memory_space<hbm>>) dst(%arg18 : memref<128xi32, #tpu.memory_space<vmem>>)
      "tpu.region"() ({
        %run_scoped3A = tpu.sem_alloc : memref<!tpu.dma_semaphore, #tpu.memory_space<semaphore_mem>>
        %dma_start3A_240 = arith.constant 0 : i32
        %dma_start3A_241 = arith.constant 0 : i32
        %dma_start3A_242 = tpu.memref_slice %arg7[%dma_start3A_240, %dma_start3A_241] : memref<10000x128xf32, #tpu.memory_space<vmem_shared>> -> memref<10000x128xf32, #tpu.memory_space<vmem_shared>>
        tpu.enqueue_indirect_dma source(%arg21 : memref<128x128xf32, #tpu.memory_space<vmem>>) target(%dma_start3A_242 : memref<10000x128xf32, #tpu.memory_space<vmem_shared>>) offsets(%arg18 : memref<128xi32, #tpu.memory_space<vmem>>) semaphore(%run_scoped3A : memref<!tpu.dma_semaphore, #tpu.memory_space<semaphore_mem>>) {add = true}
        %dma_wait3A_243 = arith.constant 0 : i32
        %dma_wait3A_244 = arith.constant 0 : i32
        %dma_wait3A_245 = tpu.memref_slice %arg7[%dma_wait3A_243, %dma_wait3A_244] : memref<10000x128xf32, #tpu.memory_space<vmem_shared>> -> memref<10000x128xf32, #tpu.memory_space<vmem_shared>>
        tpu.wait_indirect_dma semaphore(%run_scoped3A : memref<!tpu.dma_semaphore, #tpu.memory_space<semaphore_mem>>) src(%arg21 : memref<128x128xf32, #tpu.memory_space<vmem>>) dst(%dma_wait3A_245 : memref<10000x128xf32, #tpu.memory_space<vmem_shared>>)
        tpu.yield
      }) : () -> ()
      %add3A_207 = arith.constant 6 : i32
      %add3A_208 = arith.addi %add3A_189, %add3A_207 : i32
      %lt3A_209 = arith.constant 78 : i32
      %lt3A_210 = arith.cmpi slt, %add3A_208, %lt3A_209 : i32
      %convert_element_type3A_211 = arith.extui %lt3A_210 : i1 to i32
      %cond3A_212 = arith.constant 0 : i32
      %cond3A_213 = arith.cmpi ne, %convert_element_type3A_211, %cond3A_212 : i32
      scf.if %cond3A_213 {
        %add3A_240 = arith.constant 6 : i32
        %add3A_241 = arith.addi %add3A_189, %add3A_240 : i32
        %mul3A_242 = arith.constant 128 : i32
        %mul3A_243 = arith.muli %add3A_241, %mul3A_242 : i32
        %add3A_244 = arith.addi %mul3A_4, %mul3A_243 : i32
        %dma_start3A_245 = tpu.memref_slice %arg4[%add3A_244] : memref<320000xi32, #tpu.memory_space<hbm>> -> memref<128xi32, #tpu.memory_space<hbm>>
        %dma_start3A_246 = tpu.memref_slice %arg4[%add3A_244] : memref<320000xi32, #tpu.memory_space<hbm>> -> memref<128xi32, #tpu.memory_space<hbm>>
        tpu.enqueue_dma source(%dma_start3A_246 : memref<128xi32, #tpu.memory_space<hbm>>) target(%arg18 : memref<128xi32, #tpu.memory_space<vmem>>) target_semaphore(%arg33 : memref<!tpu.dma_semaphore, #tpu.memory_space<semaphore_mem>>)
      } else {
      }
      %add3A_214 = arith.constant 5 : i32
      %add3A_215 = arith.addi %mul3A_85, %add3A_214 : i32
      %dma_wait3A_216 = tpu.memref_slice %arg3[%mul3A_2] : memref<323584xi32, #tpu.memory_space<hbm>> -> memref<128xi32, #tpu.memory_space<hbm>>
      %dma_wait3A_217 = tpu.memref_slice %arg3[%mul3A_2] : memref<323584xi32, #tpu.memory_space<hbm>> -> memref<128xi32, #tpu.memory_space<hbm>>
      tpu.wait_dma2 semaphore(%arg23 : memref<!tpu.dma_semaphore, #tpu.memory_space<semaphore_mem>>) src(%dma_wait3A_217 : memref<128xi32, #tpu.memory_space<hbm>>) dst(%arg8 : memref<128xi32, #tpu.memory_space<vmem>>)
      %dma_start3A_218 = arith.constant 0 : i32
      %dma_start3A_219 = arith.constant 0 : i32
      %dma_start3A_220 = tpu.memref_slice %arg2[%dma_start3A_218, %dma_start3A_219] : memref<10000x128xf32, #tpu.memory_space<hbm>> -> memref<10000x128xf32, #tpu.memory_space<hbm>>
      tpu.enqueue_indirect_dma source(%dma_start3A_220 : memref<10000x128xf32, #tpu.memory_space<hbm>>) target(%arg21 : memref<128x128xf32, #tpu.memory_space<vmem>>) offsets(%arg8 : memref<128xi32, #tpu.memory_space<vmem>>) semaphore(%arg36 : memref<!tpu.dma_semaphore, #tpu.memory_space<semaphore_mem>>)
      %dma_wait3A_221 = arith.constant 0 : i32
      %dma_wait3A_222 = arith.constant 0 : i32
      %dma_wait3A_223 = tpu.memref_slice %arg2[%dma_wait3A_221, %dma_wait3A_222] : memref<10000x128xf32, #tpu.memory_space<hbm>> -> memref<10000x128xf32, #tpu.memory_space<hbm>>
      tpu.wait_indirect_dma semaphore(%arg37 : memref<!tpu.dma_semaphore, #tpu.memory_space<semaphore_mem>>) src(%dma_wait3A_223 : memref<10000x128xf32, #tpu.memory_space<hbm>>) dst(%arg22 : memref<128x128xf32, #tpu.memory_space<vmem>>)
      %add3A_224 = arith.constant 6 : i32
      %add3A_225 = arith.addi %add3A_215, %add3A_224 : i32
      %le3A_226 = arith.constant 78 : i32
      %le3A_227 = arith.cmpi sle, %add3A_225, %le3A_226 : i32
      %convert_element_type3A_228 = arith.extui %le3A_227 : i1 to i32
      %cond3A_229 = arith.constant 0 : i32
      %cond3A_230 = arith.cmpi ne, %convert_element_type3A_228, %cond3A_229 : i32
      scf.if %cond3A_230 {
        %add3A_240 = arith.constant 6 : i32
        %add3A_241 = arith.addi %add3A_215, %add3A_240 : i32
        %mul3A_242 = arith.constant 128 : i32
        %mul3A_243 = arith.muli %add3A_241, %mul3A_242 : i32
        %add3A_244 = arith.addi %mul3A_2, %mul3A_243 : i32
        %dma_start3A_245 = tpu.memref_slice %arg3[%add3A_244] : memref<323584xi32, #tpu.memory_space<hbm>> -> memref<128xi32, #tpu.memory_space<hbm>>
        %dma_start3A_246 = tpu.memref_slice %arg3[%add3A_244] : memref<323584xi32, #tpu.memory_space<hbm>> -> memref<128xi32, #tpu.memory_space<hbm>>
        tpu.enqueue_dma source(%dma_start3A_246 : memref<128xi32, #tpu.memory_space<hbm>>) target(%arg13 : memref<128xi32, #tpu.memory_space<vmem>>) target_semaphore(%arg28 : memref<!tpu.dma_semaphore, #tpu.memory_space<semaphore_mem>>)
      } else {
      }
      %dma_wait3A_231 = tpu.memref_slice %arg3[%mul3A_2] : memref<323584xi32, #tpu.memory_space<hbm>> -> memref<128xi32, #tpu.memory_space<hbm>>
      %dma_wait3A_232 = tpu.memref_slice %arg3[%mul3A_2] : memref<323584xi32, #tpu.memory_space<hbm>> -> memref<128xi32, #tpu.memory_space<hbm>>
      tpu.wait_dma2 semaphore(%arg34 : memref<!tpu.dma_semaphore, #tpu.memory_space<semaphore_mem>>) src(%dma_wait3A_232 : memref<128xi32, #tpu.memory_space<hbm>>) dst(%arg19 : memref<128xi32, #tpu.memory_space<vmem>>)
      "tpu.region"() ({
        %run_scoped3A = tpu.sem_alloc : memref<!tpu.dma_semaphore, #tpu.memory_space<semaphore_mem>>
        %dma_start3A_240 = arith.constant 0 : i32
        %dma_start3A_241 = arith.constant 0 : i32
        %dma_start3A_242 = tpu.memref_slice %arg7[%dma_start3A_240, %dma_start3A_241] : memref<10000x128xf32, #tpu.memory_space<vmem_shared>> -> memref<10000x128xf32, #tpu.memory_space<vmem_shared>>
        tpu.enqueue_indirect_dma source(%arg22 : memref<128x128xf32, #tpu.memory_space<vmem>>) target(%dma_start3A_242 : memref<10000x128xf32, #tpu.memory_space<vmem_shared>>) offsets(%arg19 : memref<128xi32, #tpu.memory_space<vmem>>) semaphore(%run_scoped3A : memref<!tpu.dma_semaphore, #tpu.memory_space<semaphore_mem>>) {add = true}
        %dma_wait3A_243 = arith.constant 0 : i32
        %dma_wait3A_244 = arith.constant 0 : i32
        %dma_wait3A_245 = tpu.memref_slice %arg7[%dma_wait3A_243, %dma_wait3A_244] : memref<10000x128xf32, #tpu.memory_space<vmem_shared>> -> memref<10000x128xf32, #tpu.memory_space<vmem_shared>>
        tpu.wait_indirect_dma semaphore(%run_scoped3A : memref<!tpu.dma_semaphore, #tpu.memory_space<semaphore_mem>>) src(%arg22 : memref<128x128xf32, #tpu.memory_space<vmem>>) dst(%dma_wait3A_245 : memref<10000x128xf32, #tpu.memory_space<vmem_shared>>)
        tpu.yield
      }) : () -> ()
      %add3A_233 = arith.constant 6 : i32
      %add3A_234 = arith.addi %add3A_215, %add3A_233 : i32
      %lt3A_235 = arith.constant 78 : i32
      %lt3A_236 = arith.cmpi slt, %add3A_234, %lt3A_235 : i32
      %convert_element_type3A_237 = arith.extui %lt3A_236 : i1 to i32
      %cond3A_238 = arith.constant 0 : i32
      %cond3A_239 = arith.cmpi ne, %convert_element_type3A_237, %cond3A_238 : i32
      scf.if %cond3A_239 {
        %add3A_240 = arith.constant 6 : i32
        %add3A_241 = arith.addi %add3A_215, %add3A_240 : i32
        %mul3A_242 = arith.constant 128 : i32
        %mul3A_243 = arith.muli %add3A_241, %mul3A_242 : i32
        %add3A_244 = arith.addi %mul3A_4, %mul3A_243 : i32
        %dma_start3A_245 = tpu.memref_slice %arg4[%add3A_244] : memref<320000xi32, #tpu.memory_space<hbm>> -> memref<128xi32, #tpu.memory_space<hbm>>
        %dma_start3A_246 = tpu.memref_slice %arg4[%add3A_244] : memref<320000xi32, #tpu.memory_space<hbm>> -> memref<128xi32, #tpu.memory_space<hbm>>
        tpu.enqueue_dma source(%dma_start3A_246 : memref<128xi32, #tpu.memory_space<hbm>>) target(%arg19 : memref<128xi32, #tpu.memory_space<vmem>>) target_semaphore(%arg34 : memref<!tpu.dma_semaphore, #tpu.memory_space<semaphore_mem>>)
      } else {
      }
    }
    %scan3A_67 = arith.constant 13 : i32
    %dma_wait3A_68 = arith.constant 0 : i32
    %dma_wait3A_69 = arith.constant 0 : i32
    %dma_wait3A_70 = tpu.memref_slice %arg2[%dma_wait3A_68, %dma_wait3A_69] : memref<10000x128xf32, #tpu.memory_space<hbm>> -> memref<10000x128xf32, #tpu.memory_space<hbm>>
    tpu.wait_indirect_dma semaphore(%arg36 : memref<!tpu.dma_semaphore, #tpu.memory_space<semaphore_mem>>) src(%dma_wait3A_70 : memref<10000x128xf32, #tpu.memory_space<hbm>>) dst(%arg21 : memref<128x128xf32, #tpu.memory_space<vmem>>)
    %dma_wait3A_71 = tpu.memref_slice %arg4[%mul3A_4] : memref<320000xi32, #tpu.memory_space<hbm>> -> memref<16xi32, #tpu.memory_space<hbm>>
    %dma_wait3A_72 = tpu.memref_slice %arg4[%mul3A_4] : memref<320000xi32, #tpu.memory_space<hbm>> -> memref<16xi32, #tpu.memory_space<hbm>>
    tpu.wait_dma2 semaphore(%arg35 : memref<!tpu.dma_semaphore, #tpu.memory_space<semaphore_mem>>) src(%dma_wait3A_72 : memref<16xi32, #tpu.memory_space<hbm>>) dst(%arg20 : memref<16xi32, #tpu.memory_space<vmem>>)
    "tpu.region"() ({
      %run_scoped3A = tpu.sem_alloc : memref<!tpu.dma_semaphore, #tpu.memory_space<semaphore_mem>>
      %dma_start3A_83 = arith.constant 0 : i32
      %dma_start3A_84 = arith.constant 0 : i32
      %dma_start3A_85 = tpu.memref_slice %arg21[%dma_start3A_83, %dma_start3A_84] : memref<128x128xf32, #tpu.memory_space<vmem>> -> memref<16x128xf32, #tpu.memory_space<vmem>>
      %dma_start3A_86 = arith.constant 0 : i32
      %dma_start3A_87 = arith.constant 0 : i32
      %dma_start3A_88 = tpu.memref_slice %arg7[%dma_start3A_86, %dma_start3A_87] : memref<10000x128xf32, #tpu.memory_space<vmem_shared>> -> memref<10000x128xf32, #tpu.memory_space<vmem_shared>>
      tpu.enqueue_indirect_dma source(%dma_start3A_85 : memref<16x128xf32, #tpu.memory_space<vmem>>) target(%dma_start3A_88 : memref<10000x128xf32, #tpu.memory_space<vmem_shared>>) offsets(%arg20 : memref<16xi32, #tpu.memory_space<vmem>>) semaphore(%run_scoped3A : memref<!tpu.dma_semaphore, #tpu.memory_space<semaphore_mem>>) {add = true}
      %dma_wait3A_89 = arith.constant 0 : i32
      %dma_wait3A_90 = arith.constant 0 : i32
      %dma_wait3A_91 = tpu.memref_slice %arg21[%dma_wait3A_89, %dma_wait3A_90] : memref<128x128xf32, #tpu.memory_space<vmem>> -> memref<16x128xf32, #tpu.memory_space<vmem>>
      %dma_wait3A_92 = arith.constant 0 : i32
      %dma_wait3A_93 = arith.constant 0 : i32
      %dma_wait3A_94 = tpu.memref_slice %arg7[%dma_wait3A_92, %dma_wait3A_93] : memref<10000x128xf32, #tpu.memory_space<vmem_shared>> -> memref<10000x128xf32, #tpu.memory_space<vmem_shared>>
      tpu.wait_indirect_dma semaphore(%run_scoped3A : memref<!tpu.dma_semaphore, #tpu.memory_space<semaphore_mem>>) src(%dma_wait3A_91 : memref<16x128xf32, #tpu.memory_space<vmem>>) dst(%dma_wait3A_94 : memref<10000x128xf32, #tpu.memory_space<vmem_shared>>)
      tpu.yield
    }) : () -> ()
    %barrier3A_73 = arith.constant 0 : index
    tpu.barrier barrier_id(%barrier3A_73)
    %mul3A_74 = arith.constant 624 : i32
    %mul3A_75 = arith.muli %arg1, %mul3A_74 : i32
    %mul3A_76 = arith.constant 624 : i32
    %mul3A_77 = arith.muli %arg1, %mul3A_76 : i32
    "tpu.region"() ({
      %run_scoped3A = tpu.sem_alloc : memref<!tpu.dma_semaphore, #tpu.memory_space<semaphore_mem>>
      %dma_start3A_83 = arith.constant 0 : i32
      %dma_start3A_84 = tpu.memref_slice %arg6[%arg0, %mul3A_77, %dma_start3A_83] : memref<2x10000x128xf32, #tpu.memory_space<hbm>> -> memref<1x624x128xf32, #tpu.memory_space<hbm>>
      %dma_start3A_85 = tpu.memref_squeeze %dma_start3A_84 : memref<1x624x128xf32, #tpu.memory_space<hbm>> -> memref<624x128xf32, #tpu.memory_space<hbm>>
      %dma_start3A_86 = arith.constant 0 : i32
      %dma_start3A_87 = tpu.memref_slice %arg7[%mul3A_75, %dma_start3A_86] : memref<10000x128xf32, #tpu.memory_space<vmem_shared>> -> memref<624x128xf32, #tpu.memory_space<vmem_shared>>
      tpu.enqueue_dma source(%dma_start3A_87 : memref<624x128xf32, #tpu.memory_space<vmem_shared>>) target(%dma_start3A_85 : memref<624x128xf32, #tpu.memory_space<hbm>>) target_semaphore(%run_scoped3A : memref<!tpu.dma_semaphore, #tpu.memory_space<semaphore_mem>>)
      %dma_wait3A_88 = arith.constant 0 : i32
      %dma_wait3A_89 = tpu.memref_slice %arg6[%arg0, %mul3A_77, %dma_wait3A_88] : memref<2x10000x128xf32, #tpu.memory_space<hbm>> -> memref<1x624x128xf32, #tpu.memory_space<hbm>>
      %dma_wait3A_90 = tpu.memref_squeeze %dma_wait3A_89 : memref<1x624x128xf32, #tpu.memory_space<hbm>> -> memref<624x128xf32, #tpu.memory_space<hbm>>
      %dma_wait3A_91 = arith.constant 0 : i32
      %dma_wait3A_92 = tpu.memref_slice %arg7[%mul3A_75, %dma_wait3A_91] : memref<10000x128xf32, #tpu.memory_space<vmem_shared>> -> memref<624x128xf32, #tpu.memory_space<vmem_shared>>
      tpu.wait_dma2 semaphore(%run_scoped3A : memref<!tpu.dma_semaphore, #tpu.memory_space<semaphore_mem>>) src(%dma_wait3A_92 : memref<624x128xf32, #tpu.memory_space<vmem_shared>>) dst(%dma_wait3A_90 : memref<624x128xf32, #tpu.memory_space<hbm>>)
      tpu.yield
    }) : () -> ()
    %eq3A_78 = arith.constant 15 : i32
    %eq3A_79 = arith.cmpi eq, %arg1, %eq3A_78 : i32
    %convert_element_type3A_80 = arith.extui %eq3A_79 : i1 to i32
    %cond3A_81 = arith.constant 0 : i32
    %cond3A_82 = arith.cmpi ne, %convert_element_type3A_80, %cond3A_81 : i32
    scf.if %cond3A_82 {
      "tpu.region"() ({
        %run_scoped3A = tpu.sem_alloc : memref<!tpu.dma_semaphore, #tpu.memory_space<semaphore_mem>>
        %dma_start3A_83 = arith.constant 9984 : i32
        %dma_start3A_84 = arith.constant 0 : i32
        %dma_start3A_85 = tpu.memref_slice %arg6[%arg0, %dma_start3A_83, %dma_start3A_84] : memref<2x10000x128xf32, #tpu.memory_space<hbm>> -> memref<1x16x128xf32, #tpu.memory_space<hbm>>
        %dma_start3A_86 = tpu.memref_squeeze %dma_start3A_85 : memref<1x16x128xf32, #tpu.memory_space<hbm>> -> memref<16x128xf32, #tpu.memory_space<hbm>>
        %dma_start3A_87 = arith.constant 9984 : i32
        %dma_start3A_88 = arith.constant 0 : i32
        %dma_start3A_89 = tpu.memref_slice %arg7[%dma_start3A_87, %dma_start3A_88] : memref<10000x128xf32, #tpu.memory_space<vmem_shared>> -> memref<16x128xf32, #tpu.memory_space<vmem_shared>>
        tpu.enqueue_dma source(%dma_start3A_89 : memref<16x128xf32, #tpu.memory_space<vmem_shared>>) target(%dma_start3A_86 : memref<16x128xf32, #tpu.memory_space<hbm>>) target_semaphore(%run_scoped3A : memref<!tpu.dma_semaphore, #tpu.memory_space<semaphore_mem>>)
        %dma_wait3A_90 = arith.constant 9984 : i32
        %dma_wait3A_91 = arith.constant 0 : i32
        %dma_wait3A_92 = tpu.memref_slice %arg6[%arg0, %dma_wait3A_90, %dma_wait3A_91] : memref<2x10000x128xf32, #tpu.memory_space<hbm>> -> memref<1x16x128xf32, #tpu.memory_space<hbm>>
        %dma_wait3A_93 = tpu.memref_squeeze %dma_wait3A_92 : memref<1x16x128xf32, #tpu.memory_space<hbm>> -> memref<16x128xf32, #tpu.memory_space<hbm>>
        %dma_wait3A_94 = arith.constant 9984 : i32
        %dma_wait3A_95 = arith.constant 0 : i32
        %dma_wait3A_96 = tpu.memref_slice %arg7[%dma_wait3A_94, %dma_wait3A_95] : memref<10000x128xf32, #tpu.memory_space<vmem_shared>> -> memref<16x128xf32, #tpu.memory_space<vmem_shared>>
        tpu.wait_dma2 semaphore(%run_scoped3A : memref<!tpu.dma_semaphore, #tpu.memory_space<semaphore_mem>>) src(%dma_wait3A_96 : memref<16x128xf32, #tpu.memory_space<vmem_shared>>) dst(%dma_wait3A_93 : memref<16x128xf32, #tpu.memory_space<hbm>>)
        tpu.yield
      }) : () -> ()
    } else {
    }
    return
  }
}

module attributes {stable_mosaic.version = 14 : i64} {
  func.func @_tc_feat_body(%arg0: i32, %arg1: memref<1000x128xf32, #tpu.memory_space<vmem>>, %arg2: memref<128x128xf32, #tpu.memory_space<vmem>>, %arg3: memref<1x128xf32, #tpu.memory_space<vmem>>, %arg4: memref<1x1xf32, #tpu.memory_space<smem>>, %arg5: memref<1000x128xf32, #tpu.memory_space<vmem>>) attributes {dimension_semantics = [#tpu.dimension_semantics<arbitrary>], iteration_bounds = array<i64: 10>, scalar_prefetch = 0 : i64, scratch_operands = 0 : i64, tpu.core_type = #tpu.core_type<tc>, window_params = [{transform_indices = @transform_0, window_bounds = array<i64: 1000, 128>}, {pipeline_mode = #tpu.pipeline_mode<synchronous>, transform_indices = @transform_1, window_bounds = array<i64: 128, 128>}, {pipeline_mode = #tpu.pipeline_mode<synchronous>, transform_indices = @transform_2, window_bounds = array<i64: 1, 128>}, {transform_indices = @transform_3, window_bounds = array<i64: 1, 1>}, {transform_indices = @transform_4, window_bounds = array<i64: 1000, 128>}]} {
    %get3A = arith.constant 0 : index
    %get3A_0 = arith.constant 0 : index
    %get3A_1 = vector.load %arg1[%get3A, %get3A_0] : memref<1000x128xf32, #tpu.memory_space<vmem>>, vector<1000x128xf32>
    %get3A_2 = arith.constant 0 : index
    %get3A_3 = arith.constant 0 : index
    %get3A_4 = vector.load %arg2[%get3A_2, %get3A_3] : memref<128x128xf32, #tpu.memory_space<vmem>>, vector<128x128xf32>
    %dot_general3A = arith.constant dense<0.000000e+00> : vector<1000x128xf32>
    %dot_general3A_5 = tpu.matmul %get3A_1, %get3A_4, %dot_general3A {dimension_numbers = #tpu.dot_dimension_numbers<[1], [0], [0], [1], [0, 0, 1, 1], [], []>, transpose_lhs_hint = false} : vector<1000x128xf32>, vector<128x128xf32>, vector<1000x128xf32> -> vector<1000x128xf32>
    %get3A_6 = arith.constant 0 : index
    %get3A_7 = arith.constant 0 : index
    %get3A_8 = memref.load %arg4[%get3A_6, %get3A_7] : memref<1x1xf32, #tpu.memory_space<smem>>
    %get3A_9 = arith.constant 0 : index
    %get3A_10 = arith.constant 0 : index
    %get3A_11 = vector.load %arg3[%get3A_9, %get3A_10] : memref<1x128xf32, #tpu.memory_space<vmem>>, vector<1x128xf32>
    %add3A = vector.broadcast %get3A_11 : vector<1x128xf32> to vector<1000x128xf32>
    %add3A_12 = arith.addf %dot_general3A_5, %add3A : vector<1000x128xf32>
    %max3A = arith.constant 0.000000e+00 : f32
    %max3A_13 = vector.broadcast %max3A : f32 to vector<1000x128xf32>
    %max3A_14 = arith.maximumf %add3A_12, %max3A_13 : vector<1000x128xf32>
    %mul3A = vector.broadcast %get3A_8 : f32 to vector<1000x128xf32>
    %mul3A_15 = arith.mulf %mul3A, %max3A_14 : vector<1000x128xf32>
    %swap3A = arith.constant 0 : index
    %swap3A_16 = arith.constant 0 : index
    %swap3A_17 = vector.load %arg5[%swap3A, %swap3A_16] : memref<1000x128xf32, #tpu.memory_space<vmem>>, vector<1000x128xf32>
    tpu.vector_store %arg5[%swap3A, %swap3A_16], %mul3A_15 {strides = array<i32>} : memref<1000x128xf32, #tpu.memory_space<vmem>>, vector<1000x128xf32>,
    return
  }
  func.func @transform_0(%arg0: i32) -> (i32, i32) {
    %c0_i32 = arith.constant 0 : i32
    %c0_i32_0 = arith.constant 0 : i32
    return %arg0, %c0_i32 : i32, i32
  }
  func.func @transform_1(%arg0: i32) -> (i32, i32) {
    %c0_i32 = arith.constant 0 : i32
    %c0_i32_0 = arith.constant 0 : i32
    %c0_i32_1 = arith.constant 0 : i32
    return %c0_i32, %c0_i32_0 : i32, i32
  }
  func.func @transform_2(%arg0: i32) -> (i32, i32) {
    %c0_i32 = arith.constant 0 : i32
    %c0_i32_0 = arith.constant 0 : i32
    %c0_i32_1 = arith.constant 0 : i32
    return %c0_i32, %c0_i32_0 : i32, i32
  }
  func.func @transform_3(%arg0: i32) -> (i32, i32) {
    %c0_i32 = arith.constant 0 : i32
    %c0_i32_0 = arith.constant 0 : i32
    %c0_i32_1 = arith.constant 0 : i32
    return %c0_i32, %c0_i32_0 : i32, i32
  }
  func.func @transform_4(%arg0: i32) -> (i32, i32) {
    %c0_i32 = arith.constant 0 : i32
    %c0_i32_0 = arith.constant 0 : i32
    return %arg0, %c0_i32 : i32, i32
  }
}

module attributes {stable_mosaic.version = 14 : i64} {
  func.func @_tc_neigh_body(%arg0: i32, %arg1: memref<1000x128xf32, #tpu.memory_space<vmem>>, %arg2: memref<1000x128xf32, #tpu.memory_space<vmem>>, %arg3: memref<1000x128xf32, #tpu.memory_space<vmem>>, %arg4: memref<128x128xf32, #tpu.memory_space<vmem>>, %arg5: memref<1x128xf32, #tpu.memory_space<vmem>>, %arg6: memref<1x1xf32, #tpu.memory_space<smem>>, %arg7: memref<1000x128xf32, #tpu.memory_space<vmem>>) attributes {dimension_semantics = [#tpu.dimension_semantics<arbitrary>], iteration_bounds = array<i64: 10>, scalar_prefetch = 0 : i64, scratch_operands = 0 : i64, tpu.core_type = #tpu.core_type<tc>, window_params = [{transform_indices = @transform_0, window_bounds = array<i64: 1000, 128>}, {transform_indices = @transform_1, window_bounds = array<i64: 1000, 128>}, {transform_indices = @transform_2, window_bounds = array<i64: 1000, 128>}, {pipeline_mode = #tpu.pipeline_mode<synchronous>, transform_indices = @transform_3, window_bounds = array<i64: 128, 128>}, {pipeline_mode = #tpu.pipeline_mode<synchronous>, transform_indices = @transform_4, window_bounds = array<i64: 1, 128>}, {transform_indices = @transform_5, window_bounds = array<i64: 1, 1>}, {transform_indices = @transform_6, window_bounds = array<i64: 1000, 128>}]} {
    %get3A = arith.constant 0 : index
    %get3A_0 = arith.constant 0 : index
    %get3A_1 = vector.load %arg2[%get3A, %get3A_0] : memref<1000x128xf32, #tpu.memory_space<vmem>>, vector<1000x128xf32>
    %get3A_2 = arith.constant 0 : index
    %get3A_3 = arith.constant 0 : index
    %get3A_4 = vector.load %arg3[%get3A_2, %get3A_3] : memref<1000x128xf32, #tpu.memory_space<vmem>>, vector<1000x128xf32>
    %add3A = arith.addf %get3A_1, %get3A_4 : vector<1000x128xf32>
    %get3A_5 = arith.constant 0 : index
    %get3A_6 = arith.constant 0 : index
    %get3A_7 = vector.load %arg4[%get3A_5, %get3A_6] : memref<128x128xf32, #tpu.memory_space<vmem>>, vector<128x128xf32>
    %dot_general3A = arith.constant dense<0.000000e+00> : vector<1000x128xf32>
    %dot_general3A_8 = tpu.matmul %add3A, %get3A_7, %dot_general3A {dimension_numbers = #tpu.dot_dimension_numbers<[1], [0], [0], [1], [0, 0, 1, 1], [], []>, transpose_lhs_hint = false} : vector<1000x128xf32>, vector<128x128xf32>, vector<1000x128xf32> -> vector<1000x128xf32>
    %get3A_9 = arith.constant 0 : index
    %get3A_10 = arith.constant 0 : index
    %get3A_11 = vector.load %arg1[%get3A_9, %get3A_10] : memref<1000x128xf32, #tpu.memory_space<vmem>>, vector<1000x128xf32>
    %get3A_12 = arith.constant 0 : index
    %get3A_13 = arith.constant 0 : index
    %get3A_14 = memref.load %arg6[%get3A_12, %get3A_13] : memref<1x1xf32, #tpu.memory_space<smem>>
    %get3A_15 = arith.constant 0 : index
    %get3A_16 = arith.constant 0 : index
    %get3A_17 = vector.load %arg5[%get3A_15, %get3A_16] : memref<1x128xf32, #tpu.memory_space<vmem>>, vector<1x128xf32>
    %add3A_18 = vector.broadcast %get3A_17 : vector<1x128xf32> to vector<1000x128xf32>
    %add3A_19 = arith.addf %dot_general3A_8, %add3A_18 : vector<1000x128xf32>
    %max3A = arith.constant 0.000000e+00 : f32
    %max3A_20 = vector.broadcast %max3A : f32 to vector<1000x128xf32>
    %max3A_21 = arith.maximumf %add3A_19, %max3A_20 : vector<1000x128xf32>
    %mul3A = vector.broadcast %get3A_14 : f32 to vector<1000x128xf32>
    %mul3A_22 = arith.mulf %mul3A, %max3A_21 : vector<1000x128xf32>
    %add3A_23 = arith.addf %get3A_11, %mul3A_22 : vector<1000x128xf32>
    %swap3A = arith.constant 0 : index
    %swap3A_24 = arith.constant 0 : index
    %swap3A_25 = vector.load %arg7[%swap3A, %swap3A_24] : memref<1000x128xf32, #tpu.memory_space<vmem>>, vector<1000x128xf32>
    tpu.vector_store %arg7[%swap3A, %swap3A_24], %add3A_23 {strides = array<i32>} : memref<1000x128xf32, #tpu.memory_space<vmem>>, vector<1000x128xf32>,
    return
  }
  func.func @transform_0(%arg0: i32) -> (i32, i32) {
    %c0_i32 = arith.constant 0 : i32
    %c0_i32_0 = arith.constant 0 : i32
    return %arg0, %c0_i32 : i32, i32
  }
  func.func @transform_1(%arg0: i32) -> (i32, i32) {
    %c0_i32 = arith.constant 0 : i32
    %c0_i32_0 = arith.constant 0 : i32
    return %arg0, %c0_i32 : i32, i32
  }
  func.func @transform_2(%arg0: i32) -> (i32, i32) {
    %c0_i32 = arith.constant 0 : i32
    %c0_i32_0 = arith.constant 0 : i32
    return %arg0, %c0_i32 : i32, i32
  }
  func.func @transform_3(%arg0: i32) -> (i32, i32) {
    %c0_i32 = arith.constant 0 : i32
    %c0_i32_0 = arith.constant 0 : i32
    %c0_i32_1 = arith.constant 0 : i32
    return %c0_i32, %c0_i32_0 : i32, i32
  }
  func.func @transform_4(%arg0: i32) -> (i32, i32) {
    %c0_i32 = arith.constant 0 : i32
    %c0_i32_0 = arith.constant 0 : i32
    %c0_i32_1 = arith.constant 0 : i32
    return %c0_i32, %c0_i32_0 : i32, i32
  }
  func.func @transform_5(%arg0: i32) -> (i32, i32) {
    %c0_i32 = arith.constant 0 : i32
    %c0_i32_0 = arith.constant 0 : i32
    %c0_i32_1 = arith.constant 0 : i32
    return %c0_i32, %c0_i32_0 : i32, i32
  }
  func.func @transform_6(%arg0: i32) -> (i32, i32) {
    %c0_i32 = arith.constant 0 : i32
    %c0_i32_0 = arith.constant 0 : i32
    return %arg0, %c0_i32 : i32, i32
  }
}

</mosaic_0001>

<sc_bundles>
// kernel: kernel.5.cloned.1.call-start
scs
__scs_entry_jumppad:
0x0: {  	(pc) =	sbr.rel $0x88, $3  }
0x1: {  	(tag) =	ssettag $0x0;
	lr =	simm.s32 $0x1  }
0x2: {  	[smem:$0x3F9B] =	sst lr;
	_ =	strace $0xD0000000  }
0x3: {  	_ = 	snop  }
0x4: {  	_ = 	snop  }
0x5: {  	_ = 	snop  }
0x6: {  	_ = 	snop  }
0x7: {  	_ = 	snop  }
__scs_overlays_trampoline_lowered:
0x8: {  	[smem:$0x3FAA] =	sst s0  }
0x9: {  	[smem:$0x3FAB] =	sst s1  }
0xa: {  	[smem:$0x3FAC] =	sst s2  }
0xb: {  	[smem:$0x3FAD] =	sst s3  }
0xc: {  	[smem:$0x3FAE] =	sst s4  }
0xd: {  	[smem:$0x3FAF] =	sst s5  }
0xe: {  	[smem:$0x3FB0] =	sst s6  }
0xf: {  	[smem:$0x3FB1] =	sst s7  }
0x10: {  	[smem:$0x3FB2] =	sst s8  }
0x11: {  	[smem:$0x3FB3] =	sst s9;
	s0 =	simm.s32 @!p0 $0x0  }
0x12: {  	s1 =	sld [smem:$0x3F99];
	s0 =	simm.s32 @p0 $0x1  }
0x13: {  	[smem:$0x3FB4] =	sst s0;
	s0 =	simm.s32 @!p1 $0x0  }
0x14: {  	s2 =	sld [smem:$0x3F98];
	s0 =	simm.s32 @p1 $0x1  }
0x15: {  	[smem:$0x3FB5] =	sst s0;
	s0 =	simm.s32 @!p2 $0x0  }
0x16: {  	s3 =	sld [smem:$0x3FDB];
	s0 =	simm.s32 @p2 $0x1  }
0x17: {  	s4 =	simm.s32 $0x1BF5;
	[smem:$0x3FB7] =	sst s0  }
0x18: {  	s0 =	sld [smem:$0x3F9A];
	_ =	swait.ge [sflag:s4], $0x0  }
0x19: {  	s7 =	sld [smem:$0x3F9B]  }
0x1a: {  	s8 =	sadd.s32 $0xFFFFE003, lr  }
0x1b: {  	s9 =	sadd.s32 $0xFFFFFEF7, lr;
	s5 =	simm.s32 $0xFFFFFFFF;
	p2 =	slt.u32 s8, $0xFFFFF086  }
0x1c: {  	p1 =	slt.u32 s9, $0xF7A;
	s5 =	simm.s32 @!p2 $0x0  }
0x1d: {  	s5 =	simm.s32 @p1 $0x1;
	p0 =	seq.s32 s7, s2  }
0x1e: {  	s7 =	smul.u32 @!p0 $0xF7A, s2;
	p2 =	seq.s32 @!p0 s5, $0x0  }
0x1f: {  	s9 =	smul.u32 $0xF7A, s1;
	s8 =	simm.s32 @!p0 $0x1BF5;
	p2 =	por !p2, p0  }
0x20: {  	[sflag:s8] =	ssyncset.s32 @!p0 $0xFFFFF086;
	s6 =	sadd.s32 @!p0 s3, s7;
	s7 =	simm.s32 @!p0 $0x108  }
0x21: {  	s3 =	sadd.s32 s3, s9;
	s6 =	sadd.s32 @!p0 $0x88, s6;
	s7 =	simm.s32 @p2 $0x1082  }
0x22: {  	[simem:s7], [sflag:s8] =	dma.local @!p0 [hbm:s6], $0xF7A  }
0x23: {  	s9 =	sor.u32 $0xD0000000, s2;
	s6 =	simm.s32 $0x108;
	_ =	swait.ge @!p0 [sflag:s8], $0x0  }
0x24: {  	s3 =	sadd.s32 $0x88, s3;
	s6 =	simm.s32 @!p1 $0x1082;
	[sflag:s4] =	ssyncset.s32 $0xFFFFF086  }
0x25: {  	[simem:s6], [sflag:s4] =	dma.local [hbm:s3], $0xF7A  }
0x26: {  	[smem:$0x3F9B] =	sst s1;
	(tag) =	ssettag s2;
	_ =	strace s9  }
0x27: {  	s1 =	sld [smem:$0x3FAB]  }
0x28: {  	s2 =	sld [smem:$0x3FAC]  }
0x29: {  	s4 =	sld [smem:$0x3FAE]  }
0x2a: {  	p0 =	seq.s32 s5, $0x0;
	s5 =	sld [smem:$0x3FAF]  }
0x2b: {  	s6 =	sld [smem:$0x3FB0]  }
0x2c: {  	s7 =	sld [smem:$0x3FB1]  }
0x2d: {  	s3 =	simm.s32 $0x108;
	s8 =	sld [smem:$0x3FB2]  }
0x2e: {  	s3 =	simm.s32 @!p0 $0x1082;
	s9 =	sld [smem:$0x3FB3]  }
0x2f: {  	lr =	sadd.s32 s0, s3;
	s0 =	sld [smem:$0x3FAA]  }
0x30: {  	s3 =	sld [smem:$0x3FAD]  }
0x31: {  	[smem:$0x3FB6] =	sst s10  }
0x32: {  	s10 =	sld [smem:$0x3FB4];
	_ =	sdelay $0x3  }
0x33: {  	p0 =	seq.s32 s10, $0x1;
	s10 =	sld [smem:$0x3FB6];
	_ =	sdelay $0x3  }
0x34: {  	[smem:$0x3FB6] =	sst s10  }
0x35: {  	s10 =	sld [smem:$0x3FB5];
	_ =	sdelay $0x3  }
0x36: {  	p1 =	seq.s32 s10, $0x1;
	s10 =	sld [smem:$0x3FB6];
	_ =	sdelay $0x3  }
0x37: {  	[smem:$0x3FB6] =	sst s10  }
0x38: {  	s10 =	sld [smem:$0x3FB7]  }
0x39: {  	_ = 	snop;
	(pc) =	sbr.ind lr, $3  }
0x3a: {  	_ = 	snop  }
0x3b: {  	_ = 	snop  }
0x3c: {  	p2 =	seq.s32 s10, $0x1;
	s10 =	sld [smem:$0x3FB6]  }
0x3d: {  	_ =	shalt  }
0x3e: {  	_ =	shalt  }
0x3f: {  	_ =	shalt  }
0x40: {  	_ =	shalt  }
0x41: {  	_ =	shalt  }
0x42: {  	_ =	shalt  }
0x43: {  	_ =	shalt  }
0x44: {  	_ =	shalt  }
0x45: {  	_ =	shalt  }
0x46: {  	_ =	shalt  }
0x47: {  	_ =	shalt  }
0x48: {  	_ =	shalt  }
0x49: {  	_ =	shalt  }
0x4a: {  	_ =	shalt  }
0x4b: {  	_ =	shalt  }
0x4c: {  	_ =	shalt  }
0x4d: {  	_ =	shalt  }
0x4e: {  	_ =	shalt  }
0x4f: {  	_ =	shalt  }
0x50: {  	_ =	shalt  }
0x51: {  	_ =	shalt  }
0x52: {  	_ =	shalt  }
0x53: {  	_ =	shalt  }
0x54: {  	_ =	shalt  }
0x55: {  	_ =	shalt  }
0x56: {  	_ =	shalt  }
0x57: {  	_ =	shalt  }
0x58: {  	_ =	shalt  }
0x59: {  	_ =	shalt  }
0x5a: {  	_ =	shalt  }
0x5b: {  	_ =	shalt  }
0x5c: {  	_ =	shalt  }
0x5d: {  	_ =	shalt  }
0x5e: {  	_ =	shalt  }
0x5f: {  	_ =	shalt  }
0x60: {  	_ =	shalt  }
0x61: {  	_ =	shalt  }
0x62: {  	_ =	shalt  }
0x63: {  	_ =	shalt  }
0x64: {  	_ =	shalt  }
0x65: {  	_ =	shalt  }
0x66: {  	_ =	shalt  }
0x67: {  	_ =	shalt  }
0x68: {  	_ =	shalt  }
0x69: {  	_ =	shalt  }
0x6a: {  	_ =	shalt  }
0x6b: {  	_ =	shalt  }
0x6c: {  	_ =	shalt  }
0x6d: {  	_ =	shalt  }
0x6e: {  	_ =	shalt  }
0x6f: {  	_ =	shalt  }
0x70: {  	_ =	shalt  }
0x71: {  	_ =	shalt  }
0x72: {  	_ =	shalt  }
0x73: {  	_ =	shalt  }
0x74: {  	_ =	shalt  }
0x75: {  	_ =	shalt  }
0x76: {  	_ =	shalt  }
0x77: {  	_ =	shalt  }
0x78: {  	_ =	shalt  }
0x79: {  	_ =	shalt  }
0x7a: {  	_ =	shalt  }
0x7b: {  	_ =	shalt  }
0x7c: {  	_ =	shalt  }
0x7d: {  	_ =	shalt  }
0x7e: {  	_ =	shalt  }
0x7f: {  	_ =	shalt  }
0x80: {  	_ =	shalt  }
0x81: {  	_ =	shalt  }
0x82: {  	_ =	shalt  }
0x83: {  	_ =	shalt  }
0x84: {  	_ =	shalt  }
0x85: {  	_ =	shalt  }
0x86: {  	_ =	shalt  }
0x87: {  	_ =	shalt  }
.Lfunc_end0:
.L_simem_size_0:
called_computation_lowered:
.L_overlay_start_0:
0x88: {  	s2 =	sld [smem:$0x3FD9]  }
0x89: {  	s3 =	sld [smem:$0x3FFE];
	_ =	sdelay $0x1  }
0x8a: {  	s1 =	srdreg.scid  }
0x8b: {  	s0 =	sand.u32 $0x1, s1  }
0x8c: {  	s17 =	sshll.u32 s0, $0xA;
	s2 =	sadd.s32 s3, s2  }
0x8d: {  	s2 =	sadd.s32 s2, s17  }
0x8e: {  	[smem:$0x3FC2] =	sst s2  }
0x8f: {  	_ = 	snop  }
0x90: {  	s2 =	sld [smem:$0x3FC9]  }
0x91: {  	s18 =	sld [smem:$0x3FD0];
	(tm) =	ssettm $0x1  }
0x92: {  	s4 =	sld [smem:$0x3FFB];
	_ =	sdelay $0x3  }
0x93: {  	_ =	strace s4  }
0x94: {  	s4 =	sld [smem:$0x3FFC];
	_ =	sdelay $0x3  }
0x95: {  	_ =	strace s4  }
0x96: {  	s4 =	sld [smem:$0x3FFD];
	_ =	sdelay $0x3  }
0x97: {  	_ =	strace s4  }
0x98: {  	_ =	strace $0x8FFFFFFF  }
0x99: {  	s19 =	sld [smem:$0x3FDB];
	_ =	sdelay $0x1  }
0x9a: {  	s5 =	simm.s32 $_scs_section_size  }
0x9b: {  	s6 =	simm.s32 $_size__tile_overlayer_lowered;
	s7 =	simm.s32 $_tile_overlayer_lowered  }
0x9c: {  	s22 =	simm.s32 $0x1BFF;
	s21 =	sshll.u32 s7, $0x1;
	s4 =	sadd.s32 s5, s19  }
0x9d: {  	s8 =	simm.s32 $0x0;
	s20 =	sshll.u32 s6, $0x1;
	s6 =	sadd.s32 s21, s4  }
0x9e: {  	[timem:s8], [sflag:s22] =	dma.local [hbm:s6], s20  }
0x9f: {  	_ =	swait.ge [sflag:s22], s20  }
0xa0: {  	s5 =	ssub.s32 $0x0, s20;
	[sflag:s22] =	ssyncset.done $0x0  }
0xa1: {  	[sflag:s22] =	ssyncadd.s32 s5;
	_ =	sdelay $0x1  }
0xa2: {  	s23 =	simm.s32 $0x1B8B  }
0xa3: {  	_ =	swait.ge [sflag:s23], $0x1  }
0xa4: {  	[sflag:s23] =	ssyncset.done $0x0  }
0xa5: {  	s25 =	simm.s32 $0x1B8E;
	s24 =	sld [smem:$0x3FFE];
	[sflag:s23] =	ssyncadd.s32 $0xFFFFFFFF  }
0xa6: {  	s26 =	simm.s32 $execute0_lowered;
	[smem:$0x3FD2] =	sst s25  }
0xa7: {  	s6 =	sshll.u32 s26, $0x1;
	_ =	strace $0x80000046;
	[dreg:$0x1] =	wrdreg $0xFFFFFFFF  }
0xa8: {  	s28 =	simm.s32 $_size_execute0_lowered;
	s4 =	sadd.s32 s4, s6;
	[dreg:$0x0] =	wrdreg $0x0  }
0xa9: {  	s6 =	sshll.u32 s28, $0x1;
	[dreg:$0x2] =	wrdreg s4  }
0xaa: {  	[dreg:$0x3] =	wrdreg s6  }
0xab: {  	[dreg:$0x4] =	wrdreg $0xC0  }
0xac: {  	_ =	task [dreg:s8], $0x5FFFF  }
0xad: {  	[dreg:$0x1] =	wrdreg $0xFFFFFFFF  }
0xae: {  	[dreg:$0x0] =	wrdreg $0x60  }
0xaf: {  	[dreg:$0x2] =	wrdreg s2  }
0xb0: {  	[dreg:$0x3] =	wrdreg s18  }
0xb1: {  	[dreg:$0x4] =	wrdreg s24  }
0xb2: {  	[dreg:$0x5] =	wrdreg $0x0  }
0xb3: {  	[dreg:$0x6] =	wrdreg $0x9  }
0xb4: {  	_ =	task.clear_ibuf [dreg:s8], $0x7FFFF;
	_ =	strace $0x90000046  }
0xb5: {  	s29 =	simm.s32 $0x9;
	_ =	strace $0x80000048  }
0xb6: {  	_ =	swait.ge [sflag:s29], $0x1  }
0xb7: {  	[sflag:s29] =	ssyncadd.s32 $0xFFFFFFFF  }
0xb8: {  	_ =	strace $0x90000048  }
0xb9: {  	_ =	sfence  }
0xba: {  	s30 =	sld [smem:$0x0];
	_ =	sdelay $0x2  }
0xbb: {  	s31 =	sshll.u32 s1, $0xD;
	s1 =	sshrl.u32 s1, $0x2  }
0xbc: {  	s3 =	sand.u32 $0x4000, s31;
	s1 =	sadd.s32 s1, s30  }
0xbd: {  	s0 =	sor.u32 s3, s0;
	s1 =	sshll.u32 s1, $0x11  }
0xbe: {  	s0 =	sor.u32 s1, s0  }
0xbf: {  	s0 =	sadd.s32 $0x8F2B, s0  }
0xc0: {  	[sflag:s0] =	ssyncadd.remote.s32 $0x1  }
0xc1: {  	_ =	sfence.sel $0xFFFF  }
0xc2: {  	[dreg:$0x0] =	wrdreg $0xFFFFFFFF;
	(pc) =	sbr.abs _section_cstart, $3  }
0xc3: {  	[dreg:$0x1] =	wrdreg $0xFFFFFFFF  }
0xc4: {  	_ =	task.clear_ibuf [dreg:s8], $0x2FFFF;
	_ =	strace $0x9FFFFFFF  }
0xc5: {  	(tm) =	ssettm $0x7FFFFFFF  }
tec
execute0_lowered:
.L_overlay_start_1:
0x0: {  	(tag) =	ssettag $0x1  }
0x1: {  	s1 =	rddreg [dreg:$0x0]  }
0x2: {  	s11 =	rddreg [dreg:$0x1]  }
0x3: {  	s0 =	rddreg [dreg:$0x2]  }
0x4: {  	s3 =	rddreg [dreg:$0x3]  }
0x5: {  	s17 =	simm.s32 $0x0;
	s2 =	srdreg.scid;
	s12 =	stileid.u32  }
0x6: {  	s30 =	simm.s32 $0x6;
	s31 =	simm.s32 $0xC;
	[smem:$0x7FF] =	sst s17  }
0x7: {  	s13 =	sadd.s32 $0xA00, s0;
	s2 =	sand.u32 $0x1, s2;
	s16 =	smul.u32 $0x4E000, s12  }
0x8: {  	s4 =	sshll.u32 s12, $0x1;
	s6 =	sadd.s32 $0xA800, s0;
	s10 =	smul.u32 $0x13800, s12  }
0x9: {  	s0 =	sadd.s32 $0xD000, s0;
	s19 =	sshll.u32 s12, $0x6;
	s20 =	smul.u32 $0x4F00, s12  }
0xa: {  	s24 =	smul.u32 $0x4E20, s12;
	p0 =	sne.s32 s12, $0xF;
	s12 =	sadd.s32 $0x138000, s3  }
0xb: {  	s28 =	simm.s32 $0x0;
	_ =	strace $0x80000047;
	s18 =	smul.u32 $0x138800, s2  }
0xc: {  	[dreg:$0x6] =	wrdreg s6;
	s4 =	sor.u32 s2, s4;
	s22 =	smul.u32 $0x2780, s2  }
0xd: {  	s7 =	ssub.s32 $0x2, s2;
	s2 =	smul.u32 $0x2710, s2;
	[dreg:$0x5] =	wrdreg s13  }
0xe: {  	s15 =	sor.u32 $0x1C10, s19;
	[dreg:$0x1a] =	wrdreg s12;
	s8 =	smul.u32 $0x2780, s4  }
0xf: {  	s12 =	simm.s32 $0xE;
	s9 =	sshrl.u32 s7, $0x1;
	s4 =	smul.u32 $0x2710, s4  }
0x10: {  	s6 =	sshrl.u32 s16, $0x2;
	[dreg:$0x8] =	wrdreg s15;
	s7 =	ssub.s32 s7, s9  }
0x11: {  	s6 =	sadd.s32 s6, s3;
	s21 =	sadd.s32 s10, s18;
	s2 =	sadd.s32 s2, s24  }
0x12: {  	[dreg:$0x7] =	wrdreg s6;
	s8 =	sshrl.u32 s8, $0x3;
	s4 =	sshrl.u32 s4, $0x3  }
0x13: {  	s23 =	sshrl.u32 s21, $0x3;
	s6 =	sshrl.u32 s18, $0x3;
	s29 =	smax.u32 s7, $0x1  }
0x14: {  	s5 =	sadd.s32 $0x380, s2;
	s7 =	sadd.s32 $0x400, s2;
	s14 =	sadd.s32 s11, s8  }
0x15: {  	s16 =	sadd.s32 s13, s4;
	s8 =	sadd.s32 s22, s20;
	s4 =	sadd.s32 s0, s23  }
0x16: {  	s0 =	sadd.s32 s0, s6;
	[dreg:$0xd] =	wrdreg s29;
	s10 =	sshrl.u32 s7, $0x3  }
0x17: {  	s20 =	sadd.s32 $0x480, s2;
	s29 =	sadd.s32 $0x580, s2;
	[dreg:$0xb] =	wrdreg s4  }
0x18: {  	s25 =	sadd.s32 $0x380, s8;
	s0 =	sadd.s32 $0x27000, s0;
	[dreg:$0x9] =	wrdreg s14  }
0x19: {  	s6 =	sadd.s32 $0x400, s8;
	s18 =	sadd.s32 s10, s13;
	[dreg:$0xa] =	wrdreg s16  }
0x1a: {  	s19 =	sadd.s32 $0x480, s8;
	s21 =	sadd.s32 $0x500, s8;
	[dreg:$0xc] =	wrdreg s0  }
0x1b: {  	s22 =	sshrl.u32 s20, $0x3;
	s10 =	sadd.s32 $0x300, s8;
	[dreg:$0x11] =	wrdreg s18  }
0x1c: {  	s7 =	sshrl.u32 s29, $0x3;
	s20 =	sadd.s32 $0x20, s16;
	[dreg:$0x18] =	wrdreg s10  }
0x1d: {  	s29 =	sadd.s32 $0x4E0, s16;
	s26 =	sshrl.u32 s25, $0x3;
	[dreg:$0x1e] =	wrdreg s20  }
0x1e: {  	s9 =	sshrl.u32 s6, $0x3;
	s18 =	sadd.s32 $0x10, s16;
	[smem:$0x7FD] =	sst s29  }
0x1f: {  	s23 =	sshrl.u32 s21, $0x3;
	s21 =	sadd.s32 $0x30, s14;
	[dreg:$0x1c] =	wrdreg s18  }
0x20: {  	s25 =	sadd.s32 $0x500, s2;
	s0 =	sadd.s32 s26, s11;
	[dreg:$0x1f] =	wrdreg s21  }
0x21: {  	s6 =	simm.s32 $0x13E00;
	s24 =	sadd.s32 s23, s11;
	[dreg:$0xe] =	wrdreg s0  }
0x22: {  	s26 =	sadd.s32 $0x580, s8;
	s23 =	sadd.s32 $0x40, s14;
	[dreg:$0x14] =	wrdreg s24  }
0x23: {  	s0 =	sshrl.u32 s5, $0x3;
	[smem:$0x7F9] =	sst s23;
	s24 =	sadd.s32 $0x40, s16  }
0x24: {  	s5 =	sshrl.u32 s26, $0x3;
	s26 =	sadd.s32 $0x50, s16;
	[smem:$0x7FA] =	sst s24  }
0x25: {  	s10 =	simm.s32 $0x13F00;
	s0 =	sadd.s32 s0, s13;
	[smem:$0x7FC] =	sst s26  }
0x26: {  	s8 =	simm.s32 $0x13E80;
	[dreg:$0xf] =	wrdreg s0;
	s0 =	sadd.s32 s9, s11  }
0x27: {  	s26 =	simm.s32 $0xF;
	s9 =	sadd.s32 s7, s13;
	[dreg:$0x10] =	wrdreg s0  }
0x28: {  	s0 =	sshrl.u32 s19, $0x3;
	[dreg:$0x17] =	wrdreg s9;
	s19 =	sadd.s32 $0x20, s14  }
0x29: {  	s7 =	simm.s32 $0x13B00;
	s0 =	sadd.s32 s0, s11;
	[dreg:$0x1d] =	wrdreg s19  }
0x2a: {  	s9 =	simm.s32 $0x4;
	[dreg:$0x12] =	wrdreg s0;
	s0 =	sadd.s32 s22, s13  }
0x2b: {  	s22 =	sadd.s32 $0x30, s16;
	[dreg:$0x13] =	wrdreg s0;
	s0 =	sshrl.u32 s25, $0x3  }
0x2c: {  	[smem:$0x7F8] =	sst s22;
	s25 =	sadd.s32 $0x50, s14;
	s0 =	sadd.s32 s0, s13  }
.Ltmp0:
0x2d: {  	s13 =	sadd.s32 $0x10, s14;
	[smem:$0x7FB] =	sst s25;
	(pc) =	sbr.rel .LBB2_1-.Ltmp0, $4  }
0x2e: {  	s25 =	simm.s32 $0x10;
	s14 =	simm.s32 $0x80;
	[dreg:$0x15] =	wrdreg s0  }
0x2f: {  	s0 =	sadd.s32 s5, s11;
	s11 =	sadd.s32 $0x300, s2;
	[dreg:$0x1b] =	wrdreg s13  }
0x30: {  	s13 =	simm.s32 $0x1;
	s2 =	simm.s32 $0x5;
	[dreg:$0x16] =	wrdreg s0  }
0x31: {  	s5 =	simm.s32 $0x0;
	[dreg:$0x19] =	wrdreg s11;
	s11 =	simm.s32 $0x17F00  }
.LBB2_4:
0x32: {  	_ =	swait.ge [sflag:s31], $0x80  }
0x33: {  	[sflag:s31] =	ssyncset.done $0x0  }
0x34: {  	s6 =	simm.s32 $0x13E00;
	[sflag:s31] =	ssyncadd.s32 $0xFFFFFF80  }
0x35: {  	[spmem:s3] =	stream.indirect.scatter.add.f32 [tilespmem:s11], [sflag:$0x10], $0x80, s6, s14, $0xb8;
	[tilespmem:$0x1BF00] =	vst v63  }
0x36: {  	_ =	swait.ge [sflag:s25], $0x4000  }
0x37: {  	[sflag:s25] =	ssyncset.done $0x0  }
0x38: {  	[sflag:s25] =	ssyncadd.s32 $0xFFFFC000  }
0x39: {  	_ =	swait.ge [sflag:s12], $0x4000  }
0x3a: {  	[sflag:s12] =	ssyncset.done $0x0  }
0x3b: {  	s0 =	simm.s32 $0xD;
	[sflag:s12] =	ssyncadd.s32 $0xFFFFC000  }
0x3c: {  	_ =	swait.ge [sflag:s0], $0x10  }
0x3d: {  	[sflag:s0] =	ssyncset.done $0x0  }
0x3e: {  	s8 =	simm.s32 $0x13E80;
	[sflag:s0] =	ssyncadd.s32 $0xFFFFFFF0  }
0x3f: {  	[spmem:s3] =	stream.indirect.scatter.add.f32 [tilespmem:s10], [sflag:$0x10], $0x80, s8, s25, $0xb8;
	[tilespmem:$0x1BF00] =	vst v63  }
0x40: {  	_ =	swait.ge [sflag:s25], $0x800  }
0x41: {  	[sflag:s25] =	ssyncset.done $0x0  }
0x42: {  	[sflag:s25] =	ssyncadd.s32 $0xFFFFF800  }
0x43: {  	[bflag:$0x0] =	sbarrier.arrive $0xFFFF  }
0x44: {  	s4 =	sld [smem:$0x7F6]  }
0x45: {  	s15 =	rddreg [dreg:$0x8]  }
0x46: {  	s24 =	rddreg [dreg:$0xb]  }
0x47: {  	[hbm:s24], [sflag:s15] =	dma.local [spmem:s4], $0x2700  }
0x48: {  	_ =	swait.ge [sflag:s25], $0x2700  }
0x49: {  	s4 =	sld [smem:$0x7F7]  }
0x4a: {  	[sflag:s25] =	ssyncset.done $0x0  }
0x4b: {  	s0 =	rddreg [dreg:$0xc];
	[sflag:s25] =	ssyncadd.s32 $0xFFFFD900  }
0x4c: {  	[hbm:s0], [sflag:s15] =	dma.local @!p0 [spmem:s4], $0x100  }
0x4d: {  	s0 =	simm.s32 @!p0 $0x10  }
0x4e: {  	_ =	swait.ge @!p0 [sflag:s0], $0x100  }
0x4f: {  	s5 =	sld [smem:$0x7F5];
	_ =	sdelay $0x2  }
0x50: {  	s29 =	rddreg [dreg:$0xd];
	s5 =	sadd.s32 $0x1, s5  }
0x51: {  	p1 =	sne.s32 s5, s29  }
.Ltmp1:
0x52: {  	_ = 	snop;
	(pc) =	sbr.rel @!p1 .LBB2_5-.Ltmp1, $3  }
0x53: {  	_ =	sdelay $0x1  }
0x54: {  	[sflag:s0] =	ssyncset.done @!p0 $0x0  }
0x55: {  	s17 =	simm.s32 $0x0;
	[sflag:s0] =	ssyncadd.s32 @!p0 $0xFFFFFF00  }
.LBB2_1:
0x56: {  	[smem:$0x7F5] =	sst s5  }
0x57: {  	s0 =	rddreg [dreg:$0x7]  }
0x58: {  	s4 =	sshrl.u32 s0, $0x3;
	s0 =	rddreg [dreg:$0x6]  }
0x59: {  	[smem:$0x7F6] =	sst s4  }
0x5a: {  	[spmem:s4], [sflag:s15] =	dma.local [hbm:s0], $0x2700  }
0x5b: {  	_ =	swait.ge [sflag:s25], $0x2700  }
0x5c: {  	s4 =	rddreg [dreg:$0x1a]  }
0x5d: {  	[sflag:s25] =	ssyncset.done $0x0;
	s4 =	sshrl.u32 @!p0 s4, $0x3  }
0x5e: {  	[sflag:s25] =	ssyncadd.s32 $0xFFFFD900;
	[smem:$0x7F7] =	sst s4  }
0x5f: {  	[spmem:s4], [sflag:s15] =	dma.local @!p0 [hbm:s0], $0x100  }
0x60: {  	s0 =	simm.s32 @!p0 $0x10  }
0x61: {  	_ =	swait.ge @!p0 [sflag:s0], $0x100  }
0x62: {  	[sflag:s0] =	ssyncset.done @!p0 $0x0;
	s5 =	rddreg [dreg:$0x9]  }
0x63: {  	s4 =	simm.s32 $0x13880;
	s15 =	rddreg [dreg:$0xa];
	[sflag:s0] =	ssyncadd.s32 @!p0 $0xFFFFFF00  }
0x64: {  	[tilespmem:s4], [sflag:$0x1] =	stream.linear.gather [hbm4b:s5+s17], $0x80, $0x38;
	[tilespmem:$0x1BF00] =	vst v63  }
0x65: {  	s16 =	simm.s32 $0x13B80;
	s18 =	rddreg [dreg:$0x1b]  }
0x66: {  	[tilespmem:s16], [sflag:$0x7] =	stream.linear.gather [hbm4b:s15+s17], $0x80, $0x38;
	[tilespmem:$0x1BF00] =	vst v63  }
0x67: {  	s19 =	simm.s32 $0x13900;
	s20 =	rddreg [dreg:$0x1c]  }
0x68: {  	[tilespmem:s19], [sflag:$0x2] =	stream.linear.gather [hbm4b:s18+s17], $0x80, $0x38;
	[tilespmem:$0x1BF00] =	vst v63  }
0x69: {  	s21 =	simm.s32 $0x13C00;
	s22 =	rddreg [dreg:$0x1d]  }
0x6a: {  	[tilespmem:s21], [sflag:$0x8] =	stream.linear.gather [hbm4b:s20+s17], $0x80, $0x38;
	[tilespmem:$0x1BF00] =	vst v63  }
0x6b: {  	s23 =	simm.s32 $0x13980;
	s24 =	rddreg [dreg:$0x1e]  }
0x6c: {  	[tilespmem:s23], [sflag:$0x3] =	stream.linear.gather [hbm4b:s22+s17], $0x80, $0x38;
	[tilespmem:$0x1BF00] =	vst v63  }
0x6d: {  	s29 =	simm.s32 $0x13C80;
	s5 =	rddreg [dreg:$0x1f]  }
0x6e: {  	[tilespmem:s29], [sflag:$0x9] =	stream.linear.gather [hbm4b:s24+s17], $0x80, $0x38;
	[tilespmem:$0x1BF00] =	vst v63  }
0x6f: {  	s15 =	simm.s32 $0x13A00;
	s16 =	sld [smem:$0x7F8]  }
0x70: {  	[tilespmem:s15], [sflag:$0x4] =	stream.linear.gather [hbm4b:s5+s17], $0x80, $0x38;
	[tilespmem:$0x1BF00] =	vst v63  }
0x71: {  	s18 =	simm.s32 $0x13D00;
	s19 =	sld [smem:$0x7F9]  }
0x72: {  	[tilespmem:s18], [sflag:$0xA] =	stream.linear.gather [hbm4b:s16+s17], $0x80, $0x38;
	[tilespmem:$0x1BF00] =	vst v63  }
0x73: {  	s20 =	simm.s32 $0x13A80;
	s21 =	sld [smem:$0x7FA]  }
0x74: {  	[tilespmem:s20], [sflag:$0x5] =	stream.linear.gather [hbm4b:s19+s17], $0x80, $0x38;
	[tilespmem:$0x1BF00] =	vst v63  }
0x75: {  	s22 =	simm.s32 $0x13D80;
	s23 =	sld [smem:$0x7FB]  }
0x76: {  	[tilespmem:s22], [sflag:$0xB] =	stream.linear.gather [hbm4b:s21+s17], $0x80, $0x38;
	[tilespmem:$0x1BF00] =	vst v63  }
0x77: {  	s24 =	sld [smem:$0x7FC]  }
0x78: {  	[tilespmem:s7], [sflag:$0x6] =	stream.linear.gather [hbm4b:s23+s17], $0x80, $0x38;
	[tilespmem:$0x1BF00] =	vst v63  }
0x79: {  	s29 =	sld [smem:$0x7FD]  }
0x7a: {  	[tilespmem:s6], [sflag:$0xC] =	stream.linear.gather [hbm4b:s24+s17], $0x80, $0x38;
	[tilespmem:$0x1BF00] =	vst v63  }
0x7b: {  	_ = 	snop  }
0x7c: {  	[tilespmem:s8], [sflag:$0xD] =	stream.linear.gather [hbm4b:s29+s17], $0x10, $0x38;
	[tilespmem:$0x1BF00] =	vst v63  }
0x7d: {  	[bflag:$0x0] =	sbarrier.arrive $0xFFFF  }
0x7e: {  	_ =	swait.ge [sflag:s13], $0x80  }
0x7f: {  	s15 =	simm.s32 $0x0;
	[sflag:s13] =	ssyncset.done $0x0;
	s0 =	rddreg [dreg:$0x19]  }
0x80: {  	s7 =	simm.s32 $0x13B00;
	s6 =	rddreg [dreg:$0x18];
	[sflag:s13] =	ssyncadd.s32 $0xFFFFFF80  }
0x81: {  	[tilespmem:s10], [sflag:$0xE] =	stream.indirect.gather [hbm4b:s1+s14], $0x80, s4, s14, $0xb8;
	[tilespmem:$0x1BF00] =	vst v63  }
.LBB2_2:
0x82: {  	s4 =	simm.s32 $0x2  }
0x83: {  	_ =	swait.ge [sflag:s4], $0x80  }
0x84: {  	[sflag:s4] =	ssyncset.done $0x0  }
0x85: {  	s21 =	simm.s32 $0x13900;
	[sflag:s4] =	ssyncadd.s32 $0xFFFFFF80  }
0x86: {  	[tilespmem:s11], [sflag:$0xF] =	stream.indirect.gather [hbm4b:s1+s14], $0x80, s21, s14, $0xb8;
	[tilespmem:$0x1BF00] =	vst v63  }
0x87: {  	_ =	swait.ge [sflag:s12], $0x4000  }
0x88: {  	[sflag:s12] =	ssyncset.done $0x0  }
0x89: {  	[sflag:s12] =	ssyncadd.s32 $0xFFFFC000  }
0x8a: {  	s16 =	sshrl.u32 s6, $0x3;
	s22 =	rddreg [dreg:$0x1]  }
0x8b: {  	s5 =	simm.s32 $0x13880;
	s23 =	simm.s32 $0x7;
	s16 =	sadd.s32 s22, s16  }
0x8c: {  	[tilespmem:s5], [sflag:$0x1] =	stream.linear.gather [hbm4b:s16+s17], $0x80, $0x38;
	[tilespmem:$0x1BF00] =	vst v63  }
0x8d: {  	_ =	swait.ge [sflag:s23], $0x80  }
0x8e: {  	[sflag:s23] =	ssyncset.done $0x0  }
0x8f: {  	s24 =	simm.s32 $0x13B80;
	[sflag:s23] =	ssyncadd.s32 $0xFFFFFF80  }
0x90: {  	[spmem:s3] =	stream.indirect.scatter.add.f32 [tilespmem:s10], [sflag:$0x10], $0x80, s24, s14, $0xb8;
	[tilespmem:$0x1BF00] =	vst v63  }
0x91: {  	_ =	swait.ge [sflag:s25], $0x4000  }
0x92: {  	p1 =	seq.s32 s15, $0x480;
	[sflag:s25] =	ssyncset.done $0x0  }
0x93: {  	s16 =	simm.s32 @p1 $0x3;
	[sflag:s25] =	ssyncadd.s32 $0xFFFFC000  }
0x94: {  	_ =	swait.ge @p1 [sflag:s16], $0x80  }
0x95: {  	s18 =	simm.s32 @p1 $0x13980;
	[sflag:s16] =	ssyncset.done @p1 $0x0  }
0x96: {  	s17 =	simm.s32 @p1 $0x13F00;
	[sflag:s16] =	ssyncadd.s32 @p1 $0xFFFFFF80;
	s16 =	simm.s32 @p1 $0x80  }
0x97: {  	[tilespmem:s17], [sflag:$0xE] =	stream.indirect.gather @p1 [hbm4b:s1+s16], $0x80, s18, s16, $0xb8;
	[tilespmem:$0x1BF00] =	vst v63  }
0x98: {  	s18 =	simm.s32 @p1 $0xF  }
0x99: {  	_ =	swait.ge @p1 [sflag:s18], $0x4000  }
0x9a: {  	[sflag:s18] =	ssyncset.done @p1 $0x0  }
0x9b: {  	[sflag:s18] =	ssyncadd.s32 @p1 $0xFFFFC000;
	s18 =	simm.s32 @p1 $0x8  }
0x9c: {  	_ =	swait.ge @p1 [sflag:s18], $0x80  }
0x9d: {  	s19 =	simm.s32 @p1 $0x10;
	[sflag:s18] =	ssyncset.done @p1 $0x0  }
0x9e: {  	s21 =	simm.s32 @p1 $0x17F00;
	[sflag:s18] =	ssyncadd.s32 @p1 $0xFFFFFF80;
	s18 =	simm.s32 @p1 $0x13C00  }
0x9f: {  	[spmem:s3] =	stream.indirect.scatter.add.f32 @p1 [tilespmem:s21], [sflag:$0x10], $0x80, s18, s16, $0xb8;
	[tilespmem:$0x1BF00] =	vst v63  }
0xa0: {  	s23 =	simm.s32 @!p1 $0x13B80;
	_ =	swait.ge @p1 [sflag:s19], $0x4000  }
0xa1: {  	s18 =	sshrl.u32 @!p1 s0, $0x3;
	[sflag:s19] =	ssyncset.done @p1 $0x0;
	s4 =	rddreg [dreg:$0x5]  }
0xa2: {  	[sflag:s19] =	ssyncadd.s32 @p1 $0xFFFFC000;
	s20 =	sadd.s32 @!p1 s4, s18;
	s18 =	simm.s32 @!p1 $0x0  }
0xa3: {  	[tilespmem:s23], [sflag:$0x7] =	stream.linear.gather @!p1 [hbm4b:s20+s18], $0x80, $0x38;
	[tilespmem:$0x1BF00] =	vst v63  }
0xa4: {  	s20 =	simm.s32 @!p1 $0x3  }
0xa5: {  	_ =	swait.ge @!p1 [sflag:s20], $0x80  }
0xa6: {  	s22 =	simm.s32 @!p1 $0x13980;
	s24 =	simm.s32 @!p1 $0x13F00;
	[sflag:s20] =	ssyncset.done @!p1 $0x0  }
0xa7: {  	s23 =	simm.s32 @!p1 $0x80;
	[sflag:s20] =	ssyncadd.s32 @!p1 $0xFFFFFF80;
	s20 =	simm.s32 @!p1 $0xF  }
0xa8: {  	[tilespmem:s24], [sflag:$0xE] =	stream.indirect.gather @!p1 [hbm4b:s1+s23], $0x80, s22, s23, $0xb8;
	[tilespmem:$0x1BF00] =	vst v63  }
0xa9: {  	_ =	swait.ge @!p1 [sflag:s20], $0x4000  }
0xaa: {  	[sflag:s20] =	ssyncset.done @!p1 $0x0;
	s4 =	rddreg [dreg:$0xe]  }
0xab: {  	s29 =	simm.s32 @!p1 $0x13900;
	[sflag:s20] =	ssyncadd.s32 @!p1 $0xFFFFC000;
	s20 =	sadd.s32 @!p1 s15, s4  }
0xac: {  	[tilespmem:s29], [sflag:$0x2] =	stream.linear.gather @!p1 [hbm4b:s20+s18], $0x80, $0x38;
	[tilespmem:$0x1BF00] =	vst v63  }
0xad: {  	s20 =	simm.s32 @!p1 $0x8  }
0xae: {  	_ =	swait.ge @!p1 [sflag:s20], $0x80  }
0xaf: {  	s4 =	simm.s32 @!p1 $0x17F00;
	[sflag:s20] =	ssyncset.done @!p1 $0x0  }
0xb0: {  	s29 =	simm.s32 @!p1 $0x13C00;
	[sflag:s20] =	ssyncadd.s32 @!p1 $0xFFFFFF80;
	s20 =	simm.s32 @!p1 $0x10  }
0xb1: {  	[spmem:s3] =	stream.indirect.scatter.add.f32 @!p1 [tilespmem:s4], [sflag:$0x10], $0x80, s29, s23, $0xb8;
	[tilespmem:$0x1BF00] =	vst v63  }
0xb2: {  	_ =	swait.ge @!p1 [sflag:s20], $0x4000  }
0xb3: {  	[sflag:s20] =	ssyncset.done @!p1 $0x0;
	s8 =	rddreg [dreg:$0xf]  }
0xb4: {  	[sflag:s20] =	ssyncadd.s32 @!p1 $0xFFFFC000;
	s8 =	sadd.s32 @!p1 s15, s8  }
0xb5: {  	[tilespmem:s29], [sflag:$0x8] =	stream.linear.gather @!p1 [hbm4b:s8+s18], $0x80, $0x38;
	[tilespmem:$0x1BF00] =	vst v63  }
0xb6: {  	_ =	swait.ge [sflag:s9], $0x80  }
0xb7: {  	[sflag:s9] =	ssyncset.done $0x0  }
0xb8: {  	s29 =	simm.s32 $0x13A00;
	[sflag:s9] =	ssyncadd.s32 $0xFFFFFF80  }
0xb9: {  	[tilespmem:s11], [sflag:$0xF] =	stream.indirect.gather [hbm4b:s1+s14], $0x80, s29, s14, $0xb8;
	[tilespmem:$0x1BF00] =	vst v63  }
0xba: {  	_ =	swait.ge [sflag:s12], $0x4000  }
0xbb: {  	[sflag:s12] =	ssyncset.done $0x0  }
0xbc: {  	s8 =	simm.s32 @p1 $0x9;
	[sflag:s12] =	ssyncadd.s32 $0xFFFFC000  }
0xbd: {  	_ =	swait.ge @p1 [sflag:s8], $0x80  }
0xbe: {  	[sflag:s8] =	ssyncset.done @p1 $0x0  }
0xbf: {  	[sflag:s8] =	ssyncadd.s32 @p1 $0xFFFFFF80;
	s8 =	simm.s32 @p1 $0x13C80  }
0xc0: {  	[spmem:s3] =	stream.indirect.scatter.add.f32 @p1 [tilespmem:s17], [sflag:$0x10], $0x80, s8, s16, $0xb8;
	[tilespmem:$0x1BF00] =	vst v63  }
0xc1: {  	_ =	swait.ge @p1 [sflag:s19], $0x4000  }
0xc2: {  	[sflag:s19] =	ssyncset.done @p1 $0x0;
	s8 =	rddreg [dreg:$0x10]  }
0xc3: {  	[sflag:s19] =	ssyncadd.s32 @p1 $0xFFFFC000;
	s8 =	sadd.s32 @!p1 s15, s8  }
0xc4: {  	[tilespmem:s22], [sflag:$0x3] =	stream.linear.gather @!p1 [hbm4b:s8+s18], $0x80, $0x38;
	[tilespmem:$0x1BF00] =	vst v63  }
0xc5: {  	s8 =	simm.s32 @!p1 $0x9  }
0xc6: {  	_ =	swait.ge @!p1 [sflag:s8], $0x80  }
0xc7: {  	[sflag:s8] =	ssyncset.done @!p1 $0x0  }
0xc8: {  	[sflag:s8] =	ssyncadd.s32 @!p1 $0xFFFFFF80;
	s8 =	simm.s32 @!p1 $0x13C80  }
0xc9: {  	[spmem:s3] =	stream.indirect.scatter.add.f32 @!p1 [tilespmem:s24], [sflag:$0x10], $0x80, s8, s23, $0xb8;
	[tilespmem:$0x1BF00] =	vst v63  }
0xca: {  	_ =	swait.ge @!p1 [sflag:s20], $0x4000  }
0xcb: {  	[sflag:s20] =	ssyncset.done @!p1 $0x0;
	s22 =	rddreg [dreg:$0x11]  }
0xcc: {  	[sflag:s20] =	ssyncadd.s32 @!p1 $0xFFFFC000;
	s22 =	sadd.s32 @!p1 s15, s22  }
0xcd: {  	[tilespmem:s8], [sflag:$0x9] =	stream.linear.gather @!p1 [hbm4b:s22+s18], $0x80, $0x38;
	[tilespmem:$0x1BF00] =	vst v63  }
0xce: {  	_ =	swait.ge [sflag:s2], $0x80  }
0xcf: {  	[sflag:s2] =	ssyncset.done $0x0  }
0xd0: {  	s29 =	simm.s32 $0x13A80;
	[sflag:s2] =	ssyncadd.s32 $0xFFFFFF80  }
0xd1: {  	[tilespmem:s10], [sflag:$0xE] =	stream.indirect.gather [hbm4b:s1+s14], $0x80, s29, s14, $0xb8;
	[tilespmem:$0x1BF00] =	vst v63  }
0xd2: {  	_ =	swait.ge [sflag:s26], $0x4000  }
0xd3: {  	[sflag:s26] =	ssyncset.done $0x0  }
0xd4: {  	s8 =	simm.s32 @p1 $0xA;
	[sflag:s26] =	ssyncadd.s32 $0xFFFFC000  }
0xd5: {  	_ =	swait.ge @p1 [sflag:s8], $0x80  }
0xd6: {  	[sflag:s8] =	ssyncset.done @p1 $0x0  }
0xd7: {  	[sflag:s8] =	ssyncadd.s32 @p1 $0xFFFFFF80;
	s8 =	simm.s32 @p1 $0x13D00  }
0xd8: {  	[spmem:s3] =	stream.indirect.scatter.add.f32 @p1 [tilespmem:s21], [sflag:$0x10], $0x80, s8, s16, $0xb8;
	[tilespmem:$0x1BF00] =	vst v63  }
0xd9: {  	_ =	swait.ge @p1 [sflag:s19], $0x4000  }
0xda: {  	[sflag:s19] =	ssyncset.done @p1 $0x0;
	s8 =	rddreg [dreg:$0x12]  }
0xdb: {  	s21 =	simm.s32 @!p1 $0x13A00;
	[sflag:s19] =	ssyncadd.s32 @p1 $0xFFFFC000;
	s8 =	sadd.s32 @!p1 s15, s8  }
0xdc: {  	[tilespmem:s21], [sflag:$0x4] =	stream.linear.gather @!p1 [hbm4b:s8+s18], $0x80, $0x38;
	[tilespmem:$0x1BF00] =	vst v63  }
0xdd: {  	s8 =	simm.s32 @!p1 $0xA  }
0xde: {  	_ =	swait.ge @!p1 [sflag:s8], $0x80  }
0xdf: {  	[sflag:s8] =	ssyncset.done @!p1 $0x0  }
0xe0: {  	[sflag:s8] =	ssyncadd.s32 @!p1 $0xFFFFFF80;
	s8 =	simm.s32 @!p1 $0x13D00  }
0xe1: {  	[spmem:s3] =	stream.indirect.scatter.add.f32 @!p1 [tilespmem:s4], [sflag:$0x10], $0x80, s8, s23, $0xb8;
	[tilespmem:$0x1BF00] =	vst v63  }
0xe2: {  	_ =	swait.ge @!p1 [sflag:s20], $0x4000  }
0xe3: {  	[sflag:s20] =	ssyncset.done @!p1 $0x0;
	s4 =	rddreg [dreg:$0x13]  }
0xe4: {  	[sflag:s20] =	ssyncadd.s32 @!p1 $0xFFFFC000;
	s4 =	sadd.s32 @!p1 s15, s4  }
0xe5: {  	[tilespmem:s8], [sflag:$0xA] =	stream.linear.gather @!p1 [hbm4b:s4+s18], $0x80, $0x38;
	[tilespmem:$0x1BF00] =	vst v63  }
0xe6: {  	_ =	swait.ge [sflag:s30], $0x80  }
0xe7: {  	[sflag:s30] =	ssyncset.done $0x0  }
0xe8: {  	[sflag:s30] =	ssyncadd.s32 $0xFFFFFF80  }
0xe9: {  	[tilespmem:s11], [sflag:$0xF] =	stream.indirect.gather [hbm4b:s1+s14], $0x80, s7, s14, $0xb8;
	[tilespmem:$0x1BF00] =	vst v63  }
0xea: {  	_ =	swait.ge [sflag:s12], $0x4000  }
0xeb: {  	[sflag:s12] =	ssyncset.done $0x0  }
0xec: {  	s4 =	simm.s32 @p1 $0xB;
	[sflag:s12] =	ssyncadd.s32 $0xFFFFC000  }
0xed: {  	_ =	swait.ge @p1 [sflag:s4], $0x80  }
0xee: {  	[sflag:s4] =	ssyncset.done @p1 $0x0  }
0xef: {  	[sflag:s4] =	ssyncadd.s32 @p1 $0xFFFFFF80;
	s4 =	simm.s32 @p1 $0x13D80  }
0xf0: {  	[spmem:s3] =	stream.indirect.scatter.add.f32 @p1 [tilespmem:s17], [sflag:$0x10], $0x80, s4, s16, $0xb8;
	[tilespmem:$0x1BF00] =	vst v63  }
0xf1: {  	_ =	swait.ge @p1 [sflag:s19], $0x4000  }
0xf2: {  	[sflag:s19] =	ssyncset.done @p1 $0x0;
	s4 =	rddreg [dreg:$0x14]  }
0xf3: {  	s8 =	simm.s32 @!p1 $0x13A80;
	[sflag:s19] =	ssyncadd.s32 @p1 $0xFFFFC000;
	s4 =	sadd.s32 @!p1 s15, s4  }
0xf4: {  	[tilespmem:s8], [sflag:$0x5] =	stream.linear.gather @!p1 [hbm4b:s4+s18], $0x80, $0x38;
	[tilespmem:$0x1BF00] =	vst v63  }
0xf5: {  	s4 =	simm.s32 @!p1 $0xB  }
0xf6: {  	_ =	swait.ge @!p1 [sflag:s4], $0x80  }
0xf7: {  	[sflag:s4] =	ssyncset.done @!p1 $0x0  }
0xf8: {  	[sflag:s4] =	ssyncadd.s32 @!p1 $0xFFFFFF80;
	s4 =	simm.s32 @!p1 $0x13D80  }
0xf9: {  	[spmem:s3] =	stream.indirect.scatter.add.f32 @!p1 [tilespmem:s24], [sflag:$0x10], $0x80, s4, s23, $0xb8;
	[tilespmem:$0x1BF00] =	vst v63  }
0xfa: {  	_ =	swait.ge @!p1 [sflag:s20], $0x4000  }
0xfb: {  	[sflag:s20] =	ssyncset.done @!p1 $0x0;
	s8 =	rddreg [dreg:$0x15]  }
0xfc: {  	[sflag:s20] =	ssyncadd.s32 @!p1 $0xFFFFC000;
	s8 =	sadd.s32 @!p1 s15, s8  }
0xfd: {  	[tilespmem:s4], [sflag:$0xB] =	stream.linear.gather @!p1 [hbm4b:s8+s18], $0x80, $0x38;
	[tilespmem:$0x1BF00] =	vst v63  }
0xfe: {  	_ =	swait.ge [sflag:s13], $0x80  }
0xff: {  	[sflag:s13] =	ssyncset.done $0x0  }
.Ltmp2:
0x100: {  	[sflag:s13] =	ssyncadd.s32 $0xFFFFFF80;
	(pc) =	sbr.rel @p1 .LBB2_4-.Ltmp2, $4  }
0x101: {  	[tilespmem:s10], [sflag:$0xE] =	stream.indirect.gather [hbm4b:s1+s14], $0x80, s5, s14, $0xb8;
	[tilespmem:$0x1BF00] =	vst v63  }
0x102: {  	_ =	swait.ge [sflag:s26], $0x4000  }
0x103: {  	[sflag:s26] =	ssyncset.done $0x0  }
0x104: {  	s7 =	simm.s32 $0x13B00;
	[sflag:s26] =	ssyncadd.s32 $0xFFFFC000  }
0x105: {  	s4 =	rddreg [dreg:$0x16]  }
0x106: {  	s4 =	sadd.s32 s15, s4  }
0x107: {  	[tilespmem:s7], [sflag:$0x6] =	stream.linear.gather [hbm4b:s4+s28], $0x80, $0x38;
	[tilespmem:$0x1BF00] =	vst v63  }
0x108: {  	_ =	swait.ge [sflag:s31], $0x80  }
0x109: {  	[sflag:s31] =	ssyncset.done $0x0  }
0x10a: {  	s5 =	simm.s32 $0x13E00;
	[sflag:s31] =	ssyncadd.s32 $0xFFFFFF80  }
0x10b: {  	[spmem:s3] =	stream.indirect.scatter.add.f32 [tilespmem:s11], [sflag:$0x10], $0x80, s5, s14, $0xb8;
	[tilespmem:$0x1BF00] =	vst v63  }
.Ltmp3:
0x10c: {  	s6 =	sadd.s32 $0x300, s6;
	(pc) =	sbr.rel .LBB2_2-.Ltmp3, $4  }
0x10d: {  	s0 =	sadd.s32 $0x300, s0;
	s17 =	simm.s32 $0x0;
	_ =	swait.ge [sflag:s25], $0x4000  }
0x10e: {  	s7 =	simm.s32 $0x13B00;
	[sflag:s25] =	ssyncset.done $0x0;
	s29 =	rddreg [dreg:$0x17]  }
0x10f: {  	[sflag:s25] =	ssyncadd.s32 $0xFFFFC000;
	s4 =	sadd.s32 s15, s29;
	s15 =	sadd.s32 $0x60, s15  }
0x110: {  	[tilespmem:s5], [sflag:$0xC] =	stream.linear.gather [hbm4b:s4+s28], $0x80, $0x38;
	[tilespmem:$0x1BF00] =	vst v63  }
.LBB2_5:
0x111: {  	_ =	sfence.sel $0x180000  }
0x112: {  	[bflag:$0x0] =	sbarrier.arrive $0xFFFF  }
0x113: {  	_ =	strace $0x90000047  }
0x114: {  	s0 =	stileid.u32;
	[bflag:$0x2] =	sbarrier.arrive $0xFFFF  }
0x115: {  	p0 =	sne.s32 s0, $0x0;
	s0 =	rddreg [dreg:$0x4]  }
0x116: {  	s0 =	sadd.s32 @!p0 $0x100000, s0  }
0x117: {  	[sflag:s0] =	ssyncadd.tile.s32 @!p0 $0x1;
	_ =	shalt  }
.Lfunc_end2:
_tile_overlayer_lowered:
.L_overlay_start_2:
0x118: {  	(tag) =	ssettag $0x2  }
0x119: {  	s0 =	rddreg [dreg:$0x0];
	s2 =	stileid.u32  }
0x11a: {  	s1 =	rddreg [dreg:$0x1];
	p0 =	sne.s32 s2, $0x0  }
0x11b: {  	s3 =	rddreg [dreg:$0x2];
	[bflag:$0x3] =	sbarrier.arrive $0xFFFF;
	s2 =	simm.s32 @!p0 $0x1C10  }
0x11c: {  	[timem:s3], [sflag:s2] =	dma.local @!p0 [hbm:s0], s1  }
0x11d: {  	s0 =	simm.s32 @!p0 $0x10  }
0x11e: {  	_ =	swait.ge @!p0 [sflag:s0], s1  }
0x11f: {  	s1 =	ssub.s32 @!p0 $0x0, s1;
	[sflag:s0] =	ssyncset.done @!p0 $0x0  }
0x120: {  	[sflag:s0] =	ssyncadd.s32 @!p0 s1  }
0x121: {  	[bflag:$0x3] =	sbarrier.arrive $0xFFFF  }
0x122: {  	_ =	shalt  }

</sc_bundles>
